<compile_context>
chip_gen: v7x
topology: tpu7x:2x2x1
jax: 0.10.2.dev20260603
libtpu: 0.0.44.dev20260713+nightly
codegen_flags: <defaults>
</compile_context>

<pallas_src>
import functools

import jax
import jax.numpy as jnp
from jax.experimental import pallas as pl
from jax.experimental.pallas import tpu as pltpu
from jax.experimental.pallas import tpu_sc as plsc

B, T, D_IN, D_HID, D_OUT = 8, 1024, 512, 512, 256
PITCH_DIM = 8
ART_Q, ART_K, ART_D = 4, 1024, 248
PIT_Q, PIT_K, PIT_D = 2, 256, 8
N_TOK = B * T
BT = 512
GRID = (N_TOK // BT,)
ART_DP = 256


def _dot(a, b):
    return jnp.dot(a, b, preferred_element_type=jnp.float32)


def _rowdot(a, b):
    return jax.lax.dot_general(
        a, b, dimension_numbers=(((1,), (1,)), ((), ())),
        preferred_element_type=jnp.float32)


def _split3(cb):
    mask = jnp.uint32(0xFFFF0000)
    trunc = lambda v: jax.lax.bitcast_convert_type(
        jax.lax.bitcast_convert_type(v, jnp.uint32) & mask, jnp.float32)
    hi = trunc(cb)
    r1 = cb - hi
    mid = trunc(r1)
    lo = r1 - mid
    return hi, mid, lo


def _encoder_kernel(x_ref, W0_ref, b0_ref, Wa1_ref, ba1_ref, Wb1_ref, bb1_ref,
                    W1_ref, b1_ref, Wa2_ref, ba2_ref, Wb2_ref, bb2_ref,
                    Wout_ref, bout_ref, t_ref):
    h = _dot(x_ref[...], W0_ref[...]) + b0_ref[...]
    h = jnp.maximum(_dot(h, Wa1_ref[...]) + ba1_ref[...], 0.0)
    h = _dot(h, Wb1_ref[...]) + bb1_ref[...]
    h = _dot(h, W1_ref[...]) + b1_ref[...]
    h = jnp.maximum(_dot(h, Wa2_ref[...]) + ba2_ref[...], 0.0)
    h = _dot(h, Wb2_ref[...]) + bb2_ref[...]
    t_ref[...] = _dot(h, Wout_ref[...]) + bout_ref[...]


def _argmin_kernel(kdim, r_ref, r2_ref, cb_ref, c2_ref, ind_ref):
    dist = (r2_ref[...] - 2.0 * _rowdot(r_ref[...], cb_ref[...])) + c2_ref[...]
    md = jnp.min(dist, axis=1, keepdims=True)
    kiota = jax.lax.broadcasted_iota(jnp.int32, dist.shape, 1)
    ind_ref[...] = jnp.min(jnp.where(dist == md, kiota, kdim),
                           axis=1, keepdims=True)


def _pitch_stage_kernel(kdim, r_ref, r2_ref, cb_ref, hi_ref, mid_ref, lo_ref,
                        c2_ref, ind_ref, q_ref, rn_ref):
    r = r_ref[...]
    dist = (r2_ref[...] - 2.0 * _rowdot(r, cb_ref[...])) + c2_ref[...]
    md = jnp.min(dist, axis=1, keepdims=True)
    kiota = jax.lax.broadcasted_iota(jnp.int32, dist.shape, 1)
    ind = jnp.min(jnp.where(dist == md, kiota, kdim), axis=1, keepdims=True)
    onehot = (kiota == ind).astype(jnp.float32)
    q = (_dot(onehot, hi_ref[...]) + _dot(onehot, mid_ref[...])) \
        + _dot(onehot, lo_ref[...])
    ind_ref[...] = ind
    q_ref[...] = q
    rn_ref[...] = r - q


def _final_kernel(aq_ref, p1_ref, p2_ref, quant_ref):
    pacc = p1_ref[...] + p2_ref[...]
    q = jnp.concatenate([aq_ref[...], pacc], axis=1)
    qa = q[:, :ART_D]
    qp = q[:, ART_D:]
    na = jnp.sqrt((qa ** 2).sum(-1, keepdims=True) + 1e-5)
    na = jnp.where(na == 0.0, 1.0, na)
    npn = jnp.sqrt((qp ** 2).sum(-1, keepdims=True) + 1e-5)
    npn = jnp.where(npn == 0.0, 1.0, npn)
    quant_ref[...] = jnp.concatenate([qa / na, qp / npn], axis=1)


_CP = pltpu.CompilerParams(dimension_semantics=("arbitrary",))
_row_spec = lambda w: pl.BlockSpec((BT, w), lambda i: (i, 0))
_w_spec = lambda a: pl.BlockSpec(a.shape, lambda i: (0,) * a.ndim)


def _argmin_stage(r, r2, cb, c2, kdim, ddim):
    return pl.pallas_call(
        functools.partial(_argmin_kernel, kdim),
        grid=GRID,
        in_specs=[_row_spec(ddim), _row_spec(1), _w_spec(cb), _w_spec(c2)],
        out_specs=_row_spec(1),
        out_shape=jax.ShapeDtypeStruct((N_TOK, 1), jnp.int32),
        compiler_params=_CP,
    )(r, r2, cb, c2)


def _sc_gather(table, idx):
    info = plsc.get_sparse_core_info()
    ncores, nsub = info.num_cores, info.num_subcores
    nw = ncores * nsub
    bpw = N_TOK // nw
    dim = table.shape[1]
    mesh = plsc.VectorSubcoreMesh(core_axis_name="c", subcore_axis_name="s")

    @functools.partial(
        pl.kernel, mesh=mesh,
        out_type=jax.ShapeDtypeStruct((N_TOK, dim), jnp.float32),
        scratch_types=[
            pltpu.VMEM((bpw,), jnp.int32),
            pltpu.VMEM((bpw, dim), jnp.float32),
            pltpu.SemaphoreType.DMA,
        ],
    )
    def k(table_hbm, idx_hbm, out_hbm, idx_v, rows_v, sem):
        wid = jax.lax.axis_index("s") * ncores + jax.lax.axis_index("c")
        base = wid * bpw
        pltpu.sync_copy(idx_hbm.at[pl.ds(base, bpw)], idx_v)
        pltpu.async_copy(table_hbm.at[idx_v], rows_v, sem).wait()
        pltpu.sync_copy(rows_v, out_hbm.at[pl.ds(base, bpw)])

    return k(table, idx)


def _unit_norm(x):
    norm = jnp.sqrt((x ** 2).sum(-1, keepdims=True) + 1e-05)
    norm = jnp.where(norm == 0, 1.0, norm)
    return x / norm


@jax.jit
def kernel(token, W0, b0, Wa1, ba1, Wb1, bb1, W1, b1, Wa2, ba2, Wb2, bb2,
           Wout, bout, art_codebooks, pitch_codebooks):
    non_blank_mask = (token ** 2).sum(-1) > 0
    x = _unit_norm(token).reshape(N_TOK, D_IN)

    row2 = lambda v: v.reshape(1, -1)
    enc_args = (W0, row2(b0), Wa1, row2(ba1), Wb1, row2(bb1), W1, row2(b1),
                Wa2, row2(ba2), Wb2, row2(bb2), Wout, row2(bout))
    t_pre = pl.pallas_call(
        _encoder_kernel,
        grid=GRID,
        in_specs=[_row_spec(D_IN)] + [_w_spec(a) for a in enc_args],
        out_specs=_row_spec(D_OUT),
        out_shape=jax.ShapeDtypeStruct((N_TOK, D_OUT), jnp.float32),
        compiler_params=_CP,
    )(x, *enc_args)

    t = jnp.concatenate(
        [_unit_norm(t_pre[..., :-PITCH_DIM]), _unit_norm(t_pre[..., -PITCH_DIM:])], -1)
    t = jnp.where(non_blank_mask.reshape(N_TOK)[..., None], t, 0.0)

    inds = []
    loss = jnp.asarray(0.0, jnp.float32)

    acb_pad = jnp.pad(art_codebooks, ((0, 0), (0, 0), (0, ART_DP - ART_D)))
    res = t[:, :ART_D]
    art_q = None
    for i in range(ART_Q):
        cb = art_codebooks[i]
        c2 = (cb ** 2).sum(-1).reshape(1, ART_K)
        r2 = (res ** 2).sum(-1, keepdims=True)
        ind = _argmin_stage(res, r2, cb, c2, ART_K, ART_D)
        q = _sc_gather(acb_pad[i], ind.reshape(N_TOK))[:, :ART_D]
        inds.append(ind)
        art_q = q if art_q is None else art_q + q
        res = res - q
        loss = loss + jnp.mean(res ** 2)

    pit_res = t[:, ART_D:]
    p_qs = []
    for j in range(PIT_Q):
        cb = pitch_codebooks[j]
        hi, mid, lo = _split3(cb)
        c2 = (cb ** 2).sum(-1).reshape(1, PIT_K)
        r2 = (pit_res ** 2).sum(-1, keepdims=True)
        ind, q, pit_res = pl.pallas_call(
            functools.partial(_pitch_stage_kernel, PIT_K),
            grid=GRID,
            in_specs=[_row_spec(PIT_D), _row_spec(1), _w_spec(cb), _w_spec(hi),
                      _w_spec(mid), _w_spec(lo), _w_spec(c2)],
            out_specs=[_row_spec(1), _row_spec(PIT_D), _row_spec(PIT_D)],
            out_shape=[
                jax.ShapeDtypeStruct((N_TOK, 1), jnp.int32),
                jax.ShapeDtypeStruct((N_TOK, PIT_D), jnp.float32),
                jax.ShapeDtypeStruct((N_TOK, PIT_D), jnp.float32),
            ],
            compiler_params=_CP,
        )(pit_res, r2, cb, hi, mid, lo, c2)
        inds.append(ind)
        p_qs.append(q)
        loss = loss + jnp.mean(pit_res ** 2)

    quantized = pl.pallas_call(
        _final_kernel,
        grid=GRID,
        in_specs=[_row_spec(ART_D), _row_spec(PIT_D), _row_spec(PIT_D)],
        out_specs=_row_spec(D_OUT),
        out_shape=jax.ShapeDtypeStruct((N_TOK, D_OUT), jnp.float32),
        compiler_params=_CP,
    )(art_q, p_qs[0], p_qs[1])

    indices = jnp.concatenate(inds, axis=1).reshape(B, T, ART_Q + PIT_Q)
    return (indices, quantized.reshape(B, T, D_OUT),
            t.reshape(B, T, D_OUT), loss)

# --- scband reference (transcript-rebuilt; emitter-appended) ---
"""Pipeline reference for scband-quantizer-24343874633977 (READ-ONLY COPY).

The authoritative reference and input builder live on the scoring server;
editing this copy changes nothing except your own understanding.
"""

import jax, jax.numpy as jnp
import numpy as np

B, T, D_IN, D_HID, D_OUT = 8, 1024, 512, 512, 256
PITCH_DIM = 8
ART_Q, ART_K, ART_D = 4, 1024, 248
PIT_Q, PIT_K, PIT_D = 2, 256, 8


def _unit_norm(x):
    norm = jnp.sqrt((x ** 2).sum(-1) + 1e-05)[..., None]
    norm = jnp.where(norm == 0, 1.0, norm)
    return x / norm


def _unit_norm_sep(x, offset):
    return jnp.concatenate([_unit_norm(x[..., :-offset]), _unit_norm(x[..., -offset:])], -1)


def setup_inputs(seed: int = 0) -> dict:
    key = jax.random.key(seed)
    ks = jax.random.split(key, 20)
    s = 0.02
    inp = {
        'token': jax.random.normal(ks[0], (B, T, D_IN), jnp.float32),
        'W0': jax.random.normal(ks[1], (D_IN, D_HID), jnp.float32) * s,
        'b0': jnp.zeros((D_HID,), jnp.float32),
        'Wa1': jax.random.normal(ks[2], (D_HID, D_HID), jnp.float32) * s,
        'ba1': jnp.zeros((D_HID,), jnp.float32),
        'Wb1': jax.random.normal(ks[3], (D_HID, D_HID), jnp.float32) * s,
        'bb1': jnp.zeros((D_HID,), jnp.float32),
        'W1': jax.random.normal(ks[4], (D_HID, D_HID), jnp.float32) * s,
        'b1': jnp.zeros((D_HID,), jnp.float32),
        'Wa2': jax.random.normal(ks[5], (D_HID, D_HID), jnp.float32) * s,
        'ba2': jnp.zeros((D_HID,), jnp.float32),
        'Wb2': jax.random.normal(ks[6], (D_HID, D_HID), jnp.float32) * s,
        'bb2': jnp.zeros((D_HID,), jnp.float32),
        'Wout': jax.random.normal(ks[7], (D_HID, D_OUT), jnp.float32) * s,
        'bout': jnp.zeros((D_OUT,), jnp.float32),
        'art_codebooks': jax.random.normal(ks[8], (ART_Q, ART_K, ART_D), jnp.float32),
        'pitch_codebooks': jax.random.normal(ks[9], (PIT_Q, PIT_K, PIT_D), jnp.float32),
    }
    return inp


def _encoder(x, W0, b0, Wa1, ba1, Wb1, bb1, W1, b1, Wa2, ba2, Wb2, bb2, Wout, bout):
    x = x @ W0 + b0
    x = jax.nn.relu(x @ Wa1 + ba1) @ Wb1 + bb1
    x = x @ W1 + b1
    x = jax.nn.relu(x @ Wa2 + ba2) @ Wb2 + bb2
    x = x @ Wout + bout
    return x


def _residual_vq(x, codebooks):
    residual = x
    quantized_out = jnp.zeros_like(x)
    loss = jnp.asarray(0.0, x.dtype)
    all_indices = []
    for i in range(codebooks.shape[0]):
        cb = codebooks[i]
        dist = (residual ** 2).sum(-1, keepdims=True) - 2.0 * (residual @ cb.T) + (cb ** 2).sum(-1)
        ind = jnp.argmin(dist, axis=-1)
        q = jnp.take(cb, ind, axis=0)
        loss = loss + jnp.mean((residual - jax.lax.stop_gradient(q)) ** 2)
        q_st = residual + jax.lax.stop_gradient(q - residual)
        quantized_out = quantized_out + q_st
        residual = residual - jax.lax.stop_gradient(q)
        all_indices.append(ind)
    return quantized_out, jnp.stack(all_indices, axis=-1), loss


def reference(token, W0, b0, Wa1, ba1, Wb1, bb1, W1, b1, Wa2, ba2, Wb2, bb2, Wout, bout, art_codebooks, pitch_codebooks):
    non_blank_mask = (token ** 2).sum(-1) > 0
    t = _unit_norm(token)
    t = _encoder(t, W0, b0, Wa1, ba1, Wb1, bb1, W1, b1, Wa2, ba2, Wb2, bb2, Wout, bout)
    t = _unit_norm_sep(t, PITCH_DIM)
    t = jnp.where(non_blank_mask[..., None], t, 0.0)
    art_token = t[..., :-PITCH_DIM]
    pitch_token = t[..., -PITCH_DIM:]
    art_q, art_ind, art_loss = _residual_vq(art_token, art_codebooks)
    pit_q, pit_ind, pit_loss = _residual_vq(pitch_token, pitch_codebooks)
    quantized = jnp.concatenate([art_q, pit_q], -1)
    quantized = _unit_norm_sep(quantized, PITCH_DIM)
    indices = jnp.concatenate([art_ind, pit_ind], -1)
    commitment_loss = art_loss + pit_loss
    return (indices, quantized, t, commitment_loss)


if False:  # reference __main__ guard neutralized (emitter)
    out = reference(**setup_inputs())
    print(out[0].shape, out[1].shape, out[2].shape, out[3])

if __name__ == "__main__":
    import jax
    _d = setup_inputs()
    print(jax.jit(kernel)(*tuple(_d.values())))

</pallas_src>

<mosaic_0001>
#map = affine_map<(d0, d1) -> (0, 0)>
#map1 = affine_map<(d0, d1) -> (0)>
module attributes {stable_mosaic.version = 14 : i64} {
  func.func @k(%arg0: i32, %arg1: i32, %arg2: memref<1024x256xf32, #tpu.memory_space<hbm>>, %arg3: memref<8192xi32, #tpu.memory_space<hbm>>, %arg4: memref<8192x256xf32, #tpu.memory_space<hbm>>, %arg5: memref<256xi32, #tpu.memory_space<vmem>>, %arg6: memref<256x256xf32, #tpu.memory_space<vmem>>, %arg7: memref<!tpu.dma_semaphore, #tpu.memory_space<semaphore_mem>>) attributes {dimension_semantics = [#tpu.dimension_semantics<core_parallel>, #tpu.dimension_semantics<subcore_parallel>], iteration_bounds = array<i64: 2, 16>, scalar_prefetch = 0 : i64, scratch_operands = 3 : i64, tpu.core_type = #tpu.core_type<sc_vector_subcore>, window_params = [{transform_indices = #map}, {transform_indices = #map1}, {transform_indices = #map}]} {
    %mul3A = arith.constant 2 : i32
    %mul3A_0 = arith.muli %arg1, %mul3A : i32
    %add3A = arith.addi %mul3A_0, %arg0 : i32
    %mul3A_1 = arith.constant 256 : i32
    %mul3A_2 = arith.muli %add3A, %mul3A_1 : i32
    "tpu.region"() ({
      %run_scoped3A = tpu.sem_alloc : memref<!tpu.dma_semaphore, #tpu.memory_space<semaphore_mem>>
      %dma_start3A_7 = tpu.memref_slice %arg3[%mul3A_2] : memref<8192xi32, #tpu.memory_space<hbm>> -> memref<256xi32, #tpu.memory_space<hbm>>
      %dma_start3A_8 = tpu.memref_slice %arg3[%mul3A_2] : memref<8192xi32, #tpu.memory_space<hbm>> -> memref<256xi32, #tpu.memory_space<hbm>>
      tpu.enqueue_dma source(%dma_start3A_8 : memref<256xi32, #tpu.memory_space<hbm>>) target(%arg5 : memref<256xi32, #tpu.memory_space<vmem>>) target_semaphore(%run_scoped3A : memref<!tpu.dma_semaphore, #tpu.memory_space<semaphore_mem>>)
      %dma_wait3A_9 = tpu.memref_slice %arg3[%mul3A_2] : memref<8192xi32, #tpu.memory_space<hbm>> -> memref<256xi32, #tpu.memory_space<hbm>>
      %dma_wait3A_10 = tpu.memref_slice %arg3[%mul3A_2] : memref<8192xi32, #tpu.memory_space<hbm>> -> memref<256xi32, #tpu.memory_space<hbm>>
      tpu.wait_dma2 semaphore(%run_scoped3A : memref<!tpu.dma_semaphore, #tpu.memory_space<semaphore_mem>>) src(%dma_wait3A_10 : memref<256xi32, #tpu.memory_space<hbm>>) dst(%arg5 : memref<256xi32, #tpu.memory_space<vmem>>)
      tpu.yield
    }) : () -> ()
    %dma_start3A = arith.constant 0 : i32
    %dma_start3A_3 = arith.constant 0 : i32
    %dma_start3A_4 = tpu.memref_slice %arg2[%dma_start3A, %dma_start3A_3] : memref<1024x256xf32, #tpu.memory_space<hbm>> -> memref<1024x256xf32, #tpu.memory_space<hbm>>
    tpu.enqueue_indirect_dma source(%dma_start3A_4 : memref<1024x256xf32, #tpu.memory_space<hbm>>) target(%arg6 : memref<256x256xf32, #tpu.memory_space<vmem>>) offsets(%arg5 : memref<256xi32, #tpu.memory_space<vmem>>) semaphore(%arg7 : memref<!tpu.dma_semaphore, #tpu.memory_space<semaphore_mem>>)
    %dma_wait3A = arith.constant 0 : i32
    %dma_wait3A_5 = arith.constant 0 : i32
    %dma_wait3A_6 = tpu.memref_slice %arg2[%dma_wait3A, %dma_wait3A_5] : memref<1024x256xf32, #tpu.memory_space<hbm>> -> memref<1024x256xf32, #tpu.memory_space<hbm>>
    tpu.wait_indirect_dma semaphore(%arg7 : memref<!tpu.dma_semaphore, #tpu.memory_space<semaphore_mem>>) src(%dma_wait3A_6 : memref<1024x256xf32, #tpu.memory_space<hbm>>) dst(%arg6 : memref<256x256xf32, #tpu.memory_space<vmem>>)
    "tpu.region"() ({
      %run_scoped3A = tpu.sem_alloc : memref<!tpu.dma_semaphore, #tpu.memory_space<semaphore_mem>>
      %dma_start3A_7 = arith.constant 0 : i32
      %dma_start3A_8 = tpu.memref_slice %arg4[%mul3A_2, %dma_start3A_7] : memref<8192x256xf32, #tpu.memory_space<hbm>> -> memref<256x256xf32, #tpu.memory_space<hbm>>
      %dma_start3A_9 = arith.constant 0 : i32
      %dma_start3A_10 = tpu.memref_slice %arg4[%mul3A_2, %dma_start3A_9] : memref<8192x256xf32, #tpu.memory_space<hbm>> -> memref<256x256xf32, #tpu.memory_space<hbm>>
      tpu.enqueue_dma source(%arg6 : memref<256x256xf32, #tpu.memory_space<vmem>>) target(%dma_start3A_10 : memref<256x256xf32, #tpu.memory_space<hbm>>) target_semaphore(%run_scoped3A : memref<!tpu.dma_semaphore, #tpu.memory_space<semaphore_mem>>)
      %dma_wait3A_11 = arith.constant 0 : i32
      %dma_wait3A_12 = tpu.memref_slice %arg4[%mul3A_2, %dma_wait3A_11] : memref<8192x256xf32, #tpu.memory_space<hbm>> -> memref<256x256xf32, #tpu.memory_space<hbm>>
      %dma_wait3A_13 = arith.constant 0 : i32
      %dma_wait3A_14 = tpu.memref_slice %arg4[%mul3A_2, %dma_wait3A_13] : memref<8192x256xf32, #tpu.memory_space<hbm>> -> memref<256x256xf32, #tpu.memory_space<hbm>>
      tpu.wait_dma2 semaphore(%run_scoped3A : memref<!tpu.dma_semaphore, #tpu.memory_space<semaphore_mem>>) src(%arg6 : memref<256x256xf32, #tpu.memory_space<vmem>>) dst(%dma_wait3A_14 : memref<256x256xf32, #tpu.memory_space<hbm>>)
      tpu.yield
    }) : () -> ()
    return
  }
}

#map = affine_map<(d0, d1) -> (0, 0)>
#map1 = affine_map<(d0, d1) -> (0)>
module attributes {stable_mosaic.version = 14 : i64} {
  func.func @k(%arg0: i32, %arg1: i32, %arg2: memref<1024x256xf32, #tpu.memory_space<hbm>>, %arg3: memref<8192xi32, #tpu.memory_space<hbm>>, %arg4: memref<8192x256xf32, #tpu.memory_space<hbm>>, %arg5: memref<256xi32, #tpu.memory_space<vmem>>, %arg6: memref<256x256xf32, #tpu.memory_space<vmem>>, %arg7: memref<!tpu.dma_semaphore, #tpu.memory_space<semaphore_mem>>) attributes {dimension_semantics = [#tpu.dimension_semantics<core_parallel>, #tpu.dimension_semantics<subcore_parallel>], iteration_bounds = array<i64: 2, 16>, scalar_prefetch = 0 : i64, scratch_operands = 3 : i64, tpu.core_type = #tpu.core_type<sc_vector_subcore>, window_params = [{transform_indices = #map}, {transform_indices = #map1}, {transform_indices = #map}]} {
    %mul3A = arith.constant 2 : i32
    %mul3A_0 = arith.muli %arg1, %mul3A : i32
    %add3A = arith.addi %mul3A_0, %arg0 : i32
    %mul3A_1 = arith.constant 256 : i32
    %mul3A_2 = arith.muli %add3A, %mul3A_1 : i32
    "tpu.region"() ({
      %run_scoped3A = tpu.sem_alloc : memref<!tpu.dma_semaphore, #tpu.memory_space<semaphore_mem>>
      %dma_start3A_7 = tpu.memref_slice %arg3[%mul3A_2] : memref<8192xi32, #tpu.memory_space<hbm>> -> memref<256xi32, #tpu.memory_space<hbm>>
      %dma_start3A_8 = tpu.memref_slice %arg3[%mul3A_2] : memref<8192xi32, #tpu.memory_space<hbm>> -> memref<256xi32, #tpu.memory_space<hbm>>
      tpu.enqueue_dma source(%dma_start3A_8 : memref<256xi32, #tpu.memory_space<hbm>>) target(%arg5 : memref<256xi32, #tpu.memory_space<vmem>>) target_semaphore(%run_scoped3A : memref<!tpu.dma_semaphore, #tpu.memory_space<semaphore_mem>>)
      %dma_wait3A_9 = tpu.memref_slice %arg3[%mul3A_2] : memref<8192xi32, #tpu.memory_space<hbm>> -> memref<256xi32, #tpu.memory_space<hbm>>
      %dma_wait3A_10 = tpu.memref_slice %arg3[%mul3A_2] : memref<8192xi32, #tpu.memory_space<hbm>> -> memref<256xi32, #tpu.memory_space<hbm>>
      tpu.wait_dma2 semaphore(%run_scoped3A : memref<!tpu.dma_semaphore, #tpu.memory_space<semaphore_mem>>) src(%dma_wait3A_10 : memref<256xi32, #tpu.memory_space<hbm>>) dst(%arg5 : memref<256xi32, #tpu.memory_space<vmem>>)
      tpu.yield
    }) : () -> ()
    %dma_start3A = arith.constant 0 : i32
    %dma_start3A_3 = arith.constant 0 : i32
    %dma_start3A_4 = tpu.memref_slice %arg2[%dma_start3A, %dma_start3A_3] : memref<1024x256xf32, #tpu.memory_space<hbm>> -> memref<1024x256xf32, #tpu.memory_space<hbm>>
    tpu.enqueue_indirect_dma source(%dma_start3A_4 : memref<1024x256xf32, #tpu.memory_space<hbm>>) target(%arg6 : memref<256x256xf32, #tpu.memory_space<vmem>>) offsets(%arg5 : memref<256xi32, #tpu.memory_space<vmem>>) semaphore(%arg7 : memref<!tpu.dma_semaphore, #tpu.memory_space<semaphore_mem>>)
    %dma_wait3A = arith.constant 0 : i32
    %dma_wait3A_5 = arith.constant 0 : i32
    %dma_wait3A_6 = tpu.memref_slice %arg2[%dma_wait3A, %dma_wait3A_5] : memref<1024x256xf32, #tpu.memory_space<hbm>> -> memref<1024x256xf32, #tpu.memory_space<hbm>>
    tpu.wait_indirect_dma semaphore(%arg7 : memref<!tpu.dma_semaphore, #tpu.memory_space<semaphore_mem>>) src(%dma_wait3A_6 : memref<1024x256xf32, #tpu.memory_space<hbm>>) dst(%arg6 : memref<256x256xf32, #tpu.memory_space<vmem>>)
    "tpu.region"() ({
      %run_scoped3A = tpu.sem_alloc : memref<!tpu.dma_semaphore, #tpu.memory_space<semaphore_mem>>
      %dma_start3A_7 = arith.constant 0 : i32
      %dma_start3A_8 = tpu.memref_slice %arg4[%mul3A_2, %dma_start3A_7] : memref<8192x256xf32, #tpu.memory_space<hbm>> -> memref<256x256xf32, #tpu.memory_space<hbm>>
      %dma_start3A_9 = arith.constant 0 : i32
      %dma_start3A_10 = tpu.memref_slice %arg4[%mul3A_2, %dma_start3A_9] : memref<8192x256xf32, #tpu.memory_space<hbm>> -> memref<256x256xf32, #tpu.memory_space<hbm>>
      tpu.enqueue_dma source(%arg6 : memref<256x256xf32, #tpu.memory_space<vmem>>) target(%dma_start3A_10 : memref<256x256xf32, #tpu.memory_space<hbm>>) target_semaphore(%run_scoped3A : memref<!tpu.dma_semaphore, #tpu.memory_space<semaphore_mem>>)
      %dma_wait3A_11 = arith.constant 0 : i32
      %dma_wait3A_12 = tpu.memref_slice %arg4[%mul3A_2, %dma_wait3A_11] : memref<8192x256xf32, #tpu.memory_space<hbm>> -> memref<256x256xf32, #tpu.memory_space<hbm>>
      %dma_wait3A_13 = arith.constant 0 : i32
      %dma_wait3A_14 = tpu.memref_slice %arg4[%mul3A_2, %dma_wait3A_13] : memref<8192x256xf32, #tpu.memory_space<hbm>> -> memref<256x256xf32, #tpu.memory_space<hbm>>
      tpu.wait_dma2 semaphore(%run_scoped3A : memref<!tpu.dma_semaphore, #tpu.memory_space<semaphore_mem>>) src(%arg6 : memref<256x256xf32, #tpu.memory_space<vmem>>) dst(%dma_wait3A_14 : memref<256x256xf32, #tpu.memory_space<hbm>>)
      tpu.yield
    }) : () -> ()
    return
  }
}

#map = affine_map<(d0, d1) -> (0, 0)>
#map1 = affine_map<(d0, d1) -> (0)>
module attributes {stable_mosaic.version = 14 : i64} {
  func.func @k(%arg0: i32, %arg1: i32, %arg2: memref<1024x256xf32, #tpu.memory_space<hbm>>, %arg3: memref<8192xi32, #tpu.memory_space<hbm>>, %arg4: memref<8192x256xf32, #tpu.memory_space<hbm>>, %arg5: memref<256xi32, #tpu.memory_space<vmem>>, %arg6: memref<256x256xf32, #tpu.memory_space<vmem>>, %arg7: memref<!tpu.dma_semaphore, #tpu.memory_space<semaphore_mem>>) attributes {dimension_semantics = [#tpu.dimension_semantics<core_parallel>, #tpu.dimension_semantics<subcore_parallel>], iteration_bounds = array<i64: 2, 16>, scalar_prefetch = 0 : i64, scratch_operands = 3 : i64, tpu.core_type = #tpu.core_type<sc_vector_subcore>, window_params = [{transform_indices = #map}, {transform_indices = #map1}, {transform_indices = #map}]} {
    %mul3A = arith.constant 2 : i32
    %mul3A_0 = arith.muli %arg1, %mul3A : i32
    %add3A = arith.addi %mul3A_0, %arg0 : i32
    %mul3A_1 = arith.constant 256 : i32
    %mul3A_2 = arith.muli %add3A, %mul3A_1 : i32
    "tpu.region"() ({
      %run_scoped3A = tpu.sem_alloc : memref<!tpu.dma_semaphore, #tpu.memory_space<semaphore_mem>>
      %dma_start3A_7 = tpu.memref_slice %arg3[%mul3A_2] : memref<8192xi32, #tpu.memory_space<hbm>> -> memref<256xi32, #tpu.memory_space<hbm>>
      %dma_start3A_8 = tpu.memref_slice %arg3[%mul3A_2] : memref<8192xi32, #tpu.memory_space<hbm>> -> memref<256xi32, #tpu.memory_space<hbm>>
      tpu.enqueue_dma source(%dma_start3A_8 : memref<256xi32, #tpu.memory_space<hbm>>) target(%arg5 : memref<256xi32, #tpu.memory_space<vmem>>) target_semaphore(%run_scoped3A : memref<!tpu.dma_semaphore, #tpu.memory_space<semaphore_mem>>)
      %dma_wait3A_9 = tpu.memref_slice %arg3[%mul3A_2] : memref<8192xi32, #tpu.memory_space<hbm>> -> memref<256xi32, #tpu.memory_space<hbm>>
      %dma_wait3A_10 = tpu.memref_slice %arg3[%mul3A_2] : memref<8192xi32, #tpu.memory_space<hbm>> -> memref<256xi32, #tpu.memory_space<hbm>>
      tpu.wait_dma2 semaphore(%run_scoped3A : memref<!tpu.dma_semaphore, #tpu.memory_space<semaphore_mem>>) src(%dma_wait3A_10 : memref<256xi32, #tpu.memory_space<hbm>>) dst(%arg5 : memref<256xi32, #tpu.memory_space<vmem>>)
      tpu.yield
    }) : () -> ()
    %dma_start3A = arith.constant 0 : i32
    %dma_start3A_3 = arith.constant 0 : i32
    %dma_start3A_4 = tpu.memref_slice %arg2[%dma_start3A, %dma_start3A_3] : memref<1024x256xf32, #tpu.memory_space<hbm>> -> memref<1024x256xf32, #tpu.memory_space<hbm>>
    tpu.enqueue_indirect_dma source(%dma_start3A_4 : memref<1024x256xf32, #tpu.memory_space<hbm>>) target(%arg6 : memref<256x256xf32, #tpu.memory_space<vmem>>) offsets(%arg5 : memref<256xi32, #tpu.memory_space<vmem>>) semaphore(%arg7 : memref<!tpu.dma_semaphore, #tpu.memory_space<semaphore_mem>>)
    %dma_wait3A = arith.constant 0 : i32
    %dma_wait3A_5 = arith.constant 0 : i32
    %dma_wait3A_6 = tpu.memref_slice %arg2[%dma_wait3A, %dma_wait3A_5] : memref<1024x256xf32, #tpu.memory_space<hbm>> -> memref<1024x256xf32, #tpu.memory_space<hbm>>
    tpu.wait_indirect_dma semaphore(%arg7 : memref<!tpu.dma_semaphore, #tpu.memory_space<semaphore_mem>>) src(%dma_wait3A_6 : memref<1024x256xf32, #tpu.memory_space<hbm>>) dst(%arg6 : memref<256x256xf32, #tpu.memory_space<vmem>>)
    "tpu.region"() ({
      %run_scoped3A = tpu.sem_alloc : memref<!tpu.dma_semaphore, #tpu.memory_space<semaphore_mem>>
      %dma_start3A_7 = arith.constant 0 : i32
      %dma_start3A_8 = tpu.memref_slice %arg4[%mul3A_2, %dma_start3A_7] : memref<8192x256xf32, #tpu.memory_space<hbm>> -> memref<256x256xf32, #tpu.memory_space<hbm>>
      %dma_start3A_9 = arith.constant 0 : i32
      %dma_start3A_10 = tpu.memref_slice %arg4[%mul3A_2, %dma_start3A_9] : memref<8192x256xf32, #tpu.memory_space<hbm>> -> memref<256x256xf32, #tpu.memory_space<hbm>>
      tpu.enqueue_dma source(%arg6 : memref<256x256xf32, #tpu.memory_space<vmem>>) target(%dma_start3A_10 : memref<256x256xf32, #tpu.memory_space<hbm>>) target_semaphore(%run_scoped3A : memref<!tpu.dma_semaphore, #tpu.memory_space<semaphore_mem>>)
      %dma_wait3A_11 = arith.constant 0 : i32
      %dma_wait3A_12 = tpu.memref_slice %arg4[%mul3A_2, %dma_wait3A_11] : memref<8192x256xf32, #tpu.memory_space<hbm>> -> memref<256x256xf32, #tpu.memory_space<hbm>>
      %dma_wait3A_13 = arith.constant 0 : i32
      %dma_wait3A_14 = tpu.memref_slice %arg4[%mul3A_2, %dma_wait3A_13] : memref<8192x256xf32, #tpu.memory_space<hbm>> -> memref<256x256xf32, #tpu.memory_space<hbm>>
      tpu.wait_dma2 semaphore(%run_scoped3A : memref<!tpu.dma_semaphore, #tpu.memory_space<semaphore_mem>>) src(%arg6 : memref<256x256xf32, #tpu.memory_space<vmem>>) dst(%dma_wait3A_14 : memref<256x256xf32, #tpu.memory_space<hbm>>)
      tpu.yield
    }) : () -> ()
    return
  }
}

#map = affine_map<(d0, d1) -> (0, 0)>
#map1 = affine_map<(d0, d1) -> (0)>
module attributes {stable_mosaic.version = 14 : i64} {
  func.func @k(%arg0: i32, %arg1: i32, %arg2: memref<1024x256xf32, #tpu.memory_space<hbm>>, %arg3: memref<8192xi32, #tpu.memory_space<hbm>>, %arg4: memref<8192x256xf32, #tpu.memory_space<hbm>>, %arg5: memref<256xi32, #tpu.memory_space<vmem>>, %arg6: memref<256x256xf32, #tpu.memory_space<vmem>>, %arg7: memref<!tpu.dma_semaphore, #tpu.memory_space<semaphore_mem>>) attributes {dimension_semantics = [#tpu.dimension_semantics<core_parallel>, #tpu.dimension_semantics<subcore_parallel>], iteration_bounds = array<i64: 2, 16>, scalar_prefetch = 0 : i64, scratch_operands = 3 : i64, tpu.core_type = #tpu.core_type<sc_vector_subcore>, window_params = [{transform_indices = #map}, {transform_indices = #map1}, {transform_indices = #map}]} {
    %mul3A = arith.constant 2 : i32
    %mul3A_0 = arith.muli %arg1, %mul3A : i32
    %add3A = arith.addi %mul3A_0, %arg0 : i32
    %mul3A_1 = arith.constant 256 : i32
    %mul3A_2 = arith.muli %add3A, %mul3A_1 : i32
    "tpu.region"() ({
      %run_scoped3A = tpu.sem_alloc : memref<!tpu.dma_semaphore, #tpu.memory_space<semaphore_mem>>
      %dma_start3A_7 = tpu.memref_slice %arg3[%mul3A_2] : memref<8192xi32, #tpu.memory_space<hbm>> -> memref<256xi32, #tpu.memory_space<hbm>>
      %dma_start3A_8 = tpu.memref_slice %arg3[%mul3A_2] : memref<8192xi32, #tpu.memory_space<hbm>> -> memref<256xi32, #tpu.memory_space<hbm>>
      tpu.enqueue_dma source(%dma_start3A_8 : memref<256xi32, #tpu.memory_space<hbm>>) target(%arg5 : memref<256xi32, #tpu.memory_space<vmem>>) target_semaphore(%run_scoped3A : memref<!tpu.dma_semaphore, #tpu.memory_space<semaphore_mem>>)
      %dma_wait3A_9 = tpu.memref_slice %arg3[%mul3A_2] : memref<8192xi32, #tpu.memory_space<hbm>> -> memref<256xi32, #tpu.memory_space<hbm>>
      %dma_wait3A_10 = tpu.memref_slice %arg3[%mul3A_2] : memref<8192xi32, #tpu.memory_space<hbm>> -> memref<256xi32, #tpu.memory_space<hbm>>
      tpu.wait_dma2 semaphore(%run_scoped3A : memref<!tpu.dma_semaphore, #tpu.memory_space<semaphore_mem>>) src(%dma_wait3A_10 : memref<256xi32, #tpu.memory_space<hbm>>) dst(%arg5 : memref<256xi32, #tpu.memory_space<vmem>>)
      tpu.yield
    }) : () -> ()
    %dma_start3A = arith.constant 0 : i32
    %dma_start3A_3 = arith.constant 0 : i32
    %dma_start3A_4 = tpu.memref_slice %arg2[%dma_start3A, %dma_start3A_3] : memref<1024x256xf32, #tpu.memory_space<hbm>> -> memref<1024x256xf32, #tpu.memory_space<hbm>>
    tpu.enqueue_indirect_dma source(%dma_start3A_4 : memref<1024x256xf32, #tpu.memory_space<hbm>>) target(%arg6 : memref<256x256xf32, #tpu.memory_space<vmem>>) offsets(%arg5 : memref<256xi32, #tpu.memory_space<vmem>>) semaphore(%arg7 : memref<!tpu.dma_semaphore, #tpu.memory_space<semaphore_mem>>)
    %dma_wait3A = arith.constant 0 : i32
    %dma_wait3A_5 = arith.constant 0 : i32
    %dma_wait3A_6 = tpu.memref_slice %arg2[%dma_wait3A, %dma_wait3A_5] : memref<1024x256xf32, #tpu.memory_space<hbm>> -> memref<1024x256xf32, #tpu.memory_space<hbm>>
    tpu.wait_indirect_dma semaphore(%arg7 : memref<!tpu.dma_semaphore, #tpu.memory_space<semaphore_mem>>) src(%dma_wait3A_6 : memref<1024x256xf32, #tpu.memory_space<hbm>>) dst(%arg6 : memref<256x256xf32, #tpu.memory_space<vmem>>)
    "tpu.region"() ({
      %run_scoped3A = tpu.sem_alloc : memref<!tpu.dma_semaphore, #tpu.memory_space<semaphore_mem>>
      %dma_start3A_7 = arith.constant 0 : i32
      %dma_start3A_8 = tpu.memref_slice %arg4[%mul3A_2, %dma_start3A_7] : memref<8192x256xf32, #tpu.memory_space<hbm>> -> memref<256x256xf32, #tpu.memory_space<hbm>>
      %dma_start3A_9 = arith.constant 0 : i32
      %dma_start3A_10 = tpu.memref_slice %arg4[%mul3A_2, %dma_start3A_9] : memref<8192x256xf32, #tpu.memory_space<hbm>> -> memref<256x256xf32, #tpu.memory_space<hbm>>
      tpu.enqueue_dma source(%arg6 : memref<256x256xf32, #tpu.memory_space<vmem>>) target(%dma_start3A_10 : memref<256x256xf32, #tpu.memory_space<hbm>>) target_semaphore(%run_scoped3A : memref<!tpu.dma_semaphore, #tpu.memory_space<semaphore_mem>>)
      %dma_wait3A_11 = arith.constant 0 : i32
      %dma_wait3A_12 = tpu.memref_slice %arg4[%mul3A_2, %dma_wait3A_11] : memref<8192x256xf32, #tpu.memory_space<hbm>> -> memref<256x256xf32, #tpu.memory_space<hbm>>
      %dma_wait3A_13 = arith.constant 0 : i32
      %dma_wait3A_14 = tpu.memref_slice %arg4[%mul3A_2, %dma_wait3A_13] : memref<8192x256xf32, #tpu.memory_space<hbm>> -> memref<256x256xf32, #tpu.memory_space<hbm>>
      tpu.wait_dma2 semaphore(%run_scoped3A : memref<!tpu.dma_semaphore, #tpu.memory_space<semaphore_mem>>) src(%arg6 : memref<256x256xf32, #tpu.memory_space<vmem>>) dst(%dma_wait3A_14 : memref<256x256xf32, #tpu.memory_space<hbm>>)
      tpu.yield
    }) : () -> ()
    return
  }
}

module attributes {stable_mosaic.version = 14 : i64} {
  func.func @_encoder_kernel(%arg0: i32, %arg1: memref<512x512xf32, #tpu.memory_space<vmem>>, %arg2: memref<512x512xf32, #tpu.memory_space<vmem>>, %arg3: memref<1x512xf32, #tpu.memory_space<vmem>>, %arg4: memref<512x512xf32, #tpu.memory_space<vmem>>, %arg5: memref<1x512xf32, #tpu.memory_space<vmem>>, %arg6: memref<512x512xf32, #tpu.memory_space<vmem>>, %arg7: memref<1x512xf32, #tpu.memory_space<vmem>>, %arg8: memref<512x512xf32, #tpu.memory_space<vmem>>, %arg9: memref<1x512xf32, #tpu.memory_space<vmem>>, %arg10: memref<512x512xf32, #tpu.memory_space<vmem>>, %arg11: memref<1x512xf32, #tpu.memory_space<vmem>>, %arg12: memref<512x512xf32, #tpu.memory_space<vmem>>, %arg13: memref<1x512xf32, #tpu.memory_space<vmem>>, %arg14: memref<512x256xf32, #tpu.memory_space<vmem>>, %arg15: memref<1x256xf32, #tpu.memory_space<vmem>>, %arg16: memref<512x256xf32, #tpu.memory_space<vmem>>) attributes {dimension_semantics = [#tpu.dimension_semantics<arbitrary>], iteration_bounds = array<i64: 16>, scalar_prefetch = 0 : i64, scratch_operands = 0 : i64, tpu.core_type = #tpu.core_type<tc>, window_params = [{transform_indices = @transform_0, window_bounds = array<i64: 512, 512>}, {pipeline_mode = #tpu.pipeline_mode<synchronous>, transform_indices = @transform_1, window_bounds = array<i64: 512, 512>}, {pipeline_mode = #tpu.pipeline_mode<synchronous>, transform_indices = @transform_2, window_bounds = array<i64: 1, 512>}, {pipeline_mode = #tpu.pipeline_mode<synchronous>, transform_indices = @transform_3, window_bounds = array<i64: 512, 512>}, {pipeline_mode = #tpu.pipeline_mode<synchronous>, transform_indices = @transform_4, window_bounds = array<i64: 1, 512>}, {pipeline_mode = #tpu.pipeline_mode<synchronous>, transform_indices = @transform_5, window_bounds = array<i64: 512, 512>}, {pipeline_mode = #tpu.pipeline_mode<synchronous>, transform_indices = @transform_6, window_bounds = array<i64: 1, 512>}, {pipeline_mode = #tpu.pipeline_mode<synchronous>, transform_indices = @transform_7, window_bounds = array<i64: 512, 512>}, {pipeline_mode = #tpu.pipeline_mode<synchronous>, transform_indices = @transform_8, window_bounds = array<i64: 1, 512>}, {pipeline_mode = #tpu.pipeline_mode<synchronous>, transform_indices = @transform_9, window_bounds = array<i64: 512, 512>}, {pipeline_mode = #tpu.pipeline_mode<synchronous>, transform_indices = @transform_10, window_bounds = array<i64: 1, 512>}, {pipeline_mode = #tpu.pipeline_mode<synchronous>, transform_indices = @transform_11, window_bounds = array<i64: 512, 512>}, {pipeline_mode = #tpu.pipeline_mode<synchronous>, transform_indices = @transform_12, window_bounds = array<i64: 1, 512>}, {pipeline_mode = #tpu.pipeline_mode<synchronous>, transform_indices = @transform_13, window_bounds = array<i64: 512, 256>}, {pipeline_mode = #tpu.pipeline_mode<synchronous>, transform_indices = @transform_14, window_bounds = array<i64: 1, 256>}, {transform_indices = @transform_15, window_bounds = array<i64: 512, 256>}]} {
    %get3A = arith.constant 0 : index
    %get3A_0 = arith.constant 0 : index
    %get3A_1 = vector.load %arg1[%get3A, %get3A_0] : memref<512x512xf32, #tpu.memory_space<vmem>>, vector<512x512xf32>
    %get3A_2 = arith.constant 0 : index
    %get3A_3 = arith.constant 0 : index
    %get3A_4 = vector.load %arg2[%get3A_2, %get3A_3] : memref<512x512xf32, #tpu.memory_space<vmem>>, vector<512x512xf32>
    %dot_general3A = arith.constant dense<0.000000e+00> : vector<512x512xf32>
    %dot_general3A_5 = tpu.matmul %get3A_1, %get3A_4, %dot_general3A {dimension_numbers = #tpu.dot_dimension_numbers<[1], [0], [0], [1], [0, 0, 1, 1], [], []>, transpose_lhs_hint = false} : vector<512x512xf32>, vector<512x512xf32>, vector<512x512xf32> -> vector<512x512xf32>
    %get3A_6 = arith.constant 0 : index
    %get3A_7 = arith.constant 0 : index
    %get3A_8 = vector.load %arg3[%get3A_6, %get3A_7] : memref<1x512xf32, #tpu.memory_space<vmem>>, vector<1x512xf32>
    %add3A = vector.broadcast %get3A_8 : vector<1x512xf32> to vector<512x512xf32>
    %add3A_9 = arith.addf %dot_general3A_5, %add3A : vector<512x512xf32>
    %get3A_10 = arith.constant 0 : index
    %get3A_11 = arith.constant 0 : index
    %get3A_12 = vector.load %arg4[%get3A_10, %get3A_11] : memref<512x512xf32, #tpu.memory_space<vmem>>, vector<512x512xf32>
    %dot_general3A_13 = arith.constant dense<0.000000e+00> : vector<512x512xf32>
    %dot_general3A_14 = tpu.matmul %add3A_9, %get3A_12, %dot_general3A_13 {dimension_numbers = #tpu.dot_dimension_numbers<[1], [0], [0], [1], [0, 0, 1, 1], [], []>, transpose_lhs_hint = false} : vector<512x512xf32>, vector<512x512xf32>, vector<512x512xf32> -> vector<512x512xf32>
    %get3A_15 = arith.constant 0 : index
    %get3A_16 = arith.constant 0 : index
    %get3A_17 = vector.load %arg5[%get3A_15, %get3A_16] : memref<1x512xf32, #tpu.memory_space<vmem>>, vector<1x512xf32>
    %add3A_18 = vector.broadcast %get3A_17 : vector<1x512xf32> to vector<512x512xf32>
    %add3A_19 = arith.addf %dot_general3A_14, %add3A_18 : vector<512x512xf32>
    %max3A = arith.constant 0.000000e+00 : f32
    %max3A_20 = vector.broadcast %max3A : f32 to vector<512x512xf32>
    %max3A_21 = arith.maximumf %add3A_19, %max3A_20 : vector<512x512xf32>
    %get3A_22 = arith.constant 0 : index
    %get3A_23 = arith.constant 0 : index
    %get3A_24 = vector.load %arg6[%get3A_22, %get3A_23] : memref<512x512xf32, #tpu.memory_space<vmem>>, vector<512x512xf32>
    %dot_general3A_25 = arith.constant dense<0.000000e+00> : vector<512x512xf32>
    %dot_general3A_26 = tpu.matmul %max3A_21, %get3A_24, %dot_general3A_25 {dimension_numbers = #tpu.dot_dimension_numbers<[1], [0], [0], [1], [0, 0, 1, 1], [], []>, transpose_lhs_hint = false} : vector<512x512xf32>, vector<512x512xf32>, vector<512x512xf32> -> vector<512x512xf32>
    %get3A_27 = arith.constant 0 : index
    %get3A_28 = arith.constant 0 : index
    %get3A_29 = vector.load %arg7[%get3A_27, %get3A_28] : memref<1x512xf32, #tpu.memory_space<vmem>>, vector<1x512xf32>
    %add3A_30 = vector.broadcast %get3A_29 : vector<1x512xf32> to vector<512x512xf32>
    %add3A_31 = arith.addf %dot_general3A_26, %add3A_30 : vector<512x512xf32>
    %get3A_32 = arith.constant 0 : index
    %get3A_33 = arith.constant 0 : index
    %get3A_34 = vector.load %arg8[%get3A_32, %get3A_33] : memref<512x512xf32, #tpu.memory_space<vmem>>, vector<512x512xf32>
    %dot_general3A_35 = arith.constant dense<0.000000e+00> : vector<512x512xf32>
    %dot_general3A_36 = tpu.matmul %add3A_31, %get3A_34, %dot_general3A_35 {dimension_numbers = #tpu.dot_dimension_numbers<[1], [0], [0], [1], [0, 0, 1, 1], [], []>, transpose_lhs_hint = false} : vector<512x512xf32>, vector<512x512xf32>, vector<512x512xf32> -> vector<512x512xf32>
    %get3A_37 = arith.constant 0 : index
    %get3A_38 = arith.constant 0 : index
    %get3A_39 = vector.load %arg9[%get3A_37, %get3A_38] : memref<1x512xf32, #tpu.memory_space<vmem>>, vector<1x512xf32>
    %add3A_40 = vector.broadcast %get3A_39 : vector<1x512xf32> to vector<512x512xf32>
    %add3A_41 = arith.addf %dot_general3A_36, %add3A_40 : vector<512x512xf32>
    %get3A_42 = arith.constant 0 : index
    %get3A_43 = arith.constant 0 : index
    %get3A_44 = vector.load %arg10[%get3A_42, %get3A_43] : memref<512x512xf32, #tpu.memory_space<vmem>>, vector<512x512xf32>
    %dot_general3A_45 = arith.constant dense<0.000000e+00> : vector<512x512xf32>
    %dot_general3A_46 = tpu.matmul %add3A_41, %get3A_44, %dot_general3A_45 {dimension_numbers = #tpu.dot_dimension_numbers<[1], [0], [0], [1], [0, 0, 1, 1], [], []>, transpose_lhs_hint = false} : vector<512x512xf32>, vector<512x512xf32>, vector<512x512xf32> -> vector<512x512xf32>
    %get3A_47 = arith.constant 0 : index
    %get3A_48 = arith.constant 0 : index
    %get3A_49 = vector.load %arg11[%get3A_47, %get3A_48] : memref<1x512xf32, #tpu.memory_space<vmem>>, vector<1x512xf32>
    %add3A_50 = vector.broadcast %get3A_49 : vector<1x512xf32> to vector<512x512xf32>
    %add3A_51 = arith.addf %dot_general3A_46, %add3A_50 : vector<512x512xf32>
    %max3A_52 = arith.constant 0.000000e+00 : f32
    %max3A_53 = vector.broadcast %max3A_52 : f32 to vector<512x512xf32>
    %max3A_54 = arith.maximumf %add3A_51, %max3A_53 : vector<512x512xf32>
    %get3A_55 = arith.constant 0 : index
    %get3A_56 = arith.constant 0 : index
    %get3A_57 = vector.load %arg12[%get3A_55, %get3A_56] : memref<512x512xf32, #tpu.memory_space<vmem>>, vector<512x512xf32>
    %dot_general3A_58 = arith.constant dense<0.000000e+00> : vector<512x512xf32>
    %dot_general3A_59 = tpu.matmul %max3A_54, %get3A_57, %dot_general3A_58 {dimension_numbers = #tpu.dot_dimension_numbers<[1], [0], [0], [1], [0, 0, 1, 1], [], []>, transpose_lhs_hint = false} : vector<512x512xf32>, vector<512x512xf32>, vector<512x512xf32> -> vector<512x512xf32>
    %get3A_60 = arith.constant 0 : index
    %get3A_61 = arith.constant 0 : index
    %get3A_62 = vector.load %arg13[%get3A_60, %get3A_61] : memref<1x512xf32, #tpu.memory_space<vmem>>, vector<1x512xf32>
    %add3A_63 = vector.broadcast %get3A_62 : vector<1x512xf32> to vector<512x512xf32>
    %add3A_64 = arith.addf %dot_general3A_59, %add3A_63 : vector<512x512xf32>
    %get3A_65 = arith.constant 0 : index
    %get3A_66 = arith.constant 0 : index
    %get3A_67 = vector.load %arg14[%get3A_65, %get3A_66] : memref<512x256xf32, #tpu.memory_space<vmem>>, vector<512x256xf32>
    %dot_general3A_68 = arith.constant dense<0.000000e+00> : vector<512x256xf32>
    %dot_general3A_69 = tpu.matmul %add3A_64, %get3A_67, %dot_general3A_68 {dimension_numbers = #tpu.dot_dimension_numbers<[1], [0], [0], [1], [0, 0, 1, 1], [], []>, transpose_lhs_hint = false} : vector<512x512xf32>, vector<512x256xf32>, vector<512x256xf32> -> vector<512x256xf32>
    %get3A_70 = arith.constant 0 : index
    %get3A_71 = arith.constant 0 : index
    %get3A_72 = vector.load %arg15[%get3A_70, %get3A_71] : memref<1x256xf32, #tpu.memory_space<vmem>>, vector<1x256xf32>
    %add3A_73 = vector.broadcast %get3A_72 : vector<1x256xf32> to vector<512x256xf32>
    %add3A_74 = arith.addf %dot_general3A_69, %add3A_73 : vector<512x256xf32>
    %swap3A = arith.constant 0 : index
    %swap3A_75 = arith.constant 0 : index
    %swap3A_76 = vector.load %arg16[%swap3A, %swap3A_75] : memref<512x256xf32, #tpu.memory_space<vmem>>, vector<512x256xf32>
    tpu.vector_store %arg16[%swap3A, %swap3A_75], %add3A_74 {strides = array<i32>} : memref<512x256xf32, #tpu.memory_space<vmem>>, vector<512x256xf32>,
    return
  }
  func.func @transform_0(%arg0: i32) -> (i32, i32) {
    %c0_i32 = arith.constant 0 : i32
    %c0_i32_0 = arith.constant 0 : i32
    return %arg0, %c0_i32 : i32, i32
  }
  func.func @transform_1(%arg0: i32) -> (i32, i32) {
    %c0_i32 = arith.constant 0 : i32
    %c0_i32_0 = arith.constant 0 : i32
    %c0_i32_1 = arith.constant 0 : i32
    return %c0_i32, %c0_i32_0 : i32, i32
  }
  func.func @transform_2(%arg0: i32) -> (i32, i32) {
    %c0_i32 = arith.constant 0 : i32
    %c0_i32_0 = arith.constant 0 : i32
    %c0_i32_1 = arith.constant 0 : i32
    return %c0_i32, %c0_i32_0 : i32, i32
  }
  func.func @transform_3(%arg0: i32) -> (i32, i32) {
    %c0_i32 = arith.constant 0 : i32
    %c0_i32_0 = arith.constant 0 : i32
    %c0_i32_1 = arith.constant 0 : i32
    return %c0_i32, %c0_i32_0 : i32, i32
  }
  func.func @transform_4(%arg0: i32) -> (i32, i32) {
    %c0_i32 = arith.constant 0 : i32
    %c0_i32_0 = arith.constant 0 : i32
    %c0_i32_1 = arith.constant 0 : i32
    return %c0_i32, %c0_i32_0 : i32, i32
  }
  func.func @transform_5(%arg0: i32) -> (i32, i32) {
    %c0_i32 = arith.constant 0 : i32
    %c0_i32_0 = arith.constant 0 : i32
    %c0_i32_1 = arith.constant 0 : i32
    return %c0_i32, %c0_i32_0 : i32, i32
  }
  func.func @transform_6(%arg0: i32) -> (i32, i32) {
    %c0_i32 = arith.constant 0 : i32
    %c0_i32_0 = arith.constant 0 : i32
    %c0_i32_1 = arith.constant 0 : i32
    return %c0_i32, %c0_i32_0 : i32, i32
  }
  func.func @transform_7(%arg0: i32) -> (i32, i32) {
    %c0_i32 = arith.constant 0 : i32
    %c0_i32_0 = arith.constant 0 : i32
    %c0_i32_1 = arith.constant 0 : i32
    return %c0_i32, %c0_i32_0 : i32, i32
  }
  func.func @transform_8(%arg0: i32) -> (i32, i32) {
    %c0_i32 = arith.constant 0 : i32
    %c0_i32_0 = arith.constant 0 : i32
    %c0_i32_1 = arith.constant 0 : i32
    return %c0_i32, %c0_i32_0 : i32, i32
  }
  func.func @transform_9(%arg0: i32) -> (i32, i32) {
    %c0_i32 = arith.constant 0 : i32
    %c0_i32_0 = arith.constant 0 : i32
    %c0_i32_1 = arith.constant 0 : i32
    return %c0_i32, %c0_i32_0 : i32, i32
  }
  func.func @transform_10(%arg0: i32) -> (i32, i32) {
    %c0_i32 = arith.constant 0 : i32
    %c0_i32_0 = arith.constant 0 : i32
    %c0_i32_1 = arith.constant 0 : i32
    return %c0_i32, %c0_i32_0 : i32, i32
  }
  func.func @transform_11(%arg0: i32) -> (i32, i32) {
    %c0_i32 = arith.constant 0 : i32
    %c0_i32_0 = arith.constant 0 : i32
    %c0_i32_1 = arith.constant 0 : i32
    return %c0_i32, %c0_i32_0 : i32, i32
  }
  func.func @transform_12(%arg0: i32) -> (i32, i32) {
    %c0_i32 = arith.constant 0 : i32
    %c0_i32_0 = arith.constant 0 : i32
    %c0_i32_1 = arith.constant 0 : i32
    return %c0_i32, %c0_i32_0 : i32, i32
  }
  func.func @transform_13(%arg0: i32) -> (i32, i32) {
    %c0_i32 = arith.constant 0 : i32
    %c0_i32_0 = arith.constant 0 : i32
    %c0_i32_1 = arith.constant 0 : i32
    return %c0_i32, %c0_i32_0 : i32, i32
  }
  func.func @transform_14(%arg0: i32) -> (i32, i32) {
    %c0_i32 = arith.constant 0 : i32
    %c0_i32_0 = arith.constant 0 : i32
    %c0_i32_1 = arith.constant 0 : i32
    return %c0_i32, %c0_i32_0 : i32, i32
  }
  func.func @transform_15(%arg0: i32) -> (i32, i32) {
    %c0_i32 = arith.constant 0 : i32
    %c0_i32_0 = arith.constant 0 : i32
    return %arg0, %c0_i32 : i32, i32
  }
}

module attributes {stable_mosaic.version = 14 : i64} {
  func.func @_argmin_kernel(%arg0: i32, %arg1: memref<512x248xf32, #tpu.memory_space<vmem>>, %arg2: memref<512x1xf32, #tpu.memory_space<vmem>>, %arg3: memref<1024x248xf32, #tpu.memory_space<vmem>>, %arg4: memref<1x1024xf32, #tpu.memory_space<vmem>>, %arg5: memref<512x1xi32, #tpu.memory_space<vmem>>) attributes {dimension_semantics = [#tpu.dimension_semantics<arbitrary>], iteration_bounds = array<i64: 16>, scalar_prefetch = 0 : i64, scratch_operands = 0 : i64, tpu.core_type = #tpu.core_type<tc>, window_params = [{transform_indices = @transform_0, window_bounds = array<i64: 512, 248>}, {transform_indices = @transform_1, window_bounds = array<i64: 512, 1>}, {pipeline_mode = #tpu.pipeline_mode<synchronous>, transform_indices = @transform_2, window_bounds = array<i64: 1024, 248>}, {pipeline_mode = #tpu.pipeline_mode<synchronous>, transform_indices = @transform_3, window_bounds = array<i64: 1, 1024>}, {transform_indices = @transform_4, window_bounds = array<i64: 512, 1>}]} {
    %get3A = arith.constant 0 : index
    %get3A_0 = arith.constant 0 : index
    %get3A_1 = vector.load %arg2[%get3A, %get3A_0] : memref<512x1xf32, #tpu.memory_space<vmem>>, vector<512x1xf32>
    %get3A_2 = arith.constant 0 : index
    %get3A_3 = arith.constant 0 : index
    %get3A_4 = vector.load %arg1[%get3A_2, %get3A_3] : memref<512x248xf32, #tpu.memory_space<vmem>>, vector<512x248xf32>
    %get3A_5 = arith.constant 0 : index
    %get3A_6 = arith.constant 0 : index
    %get3A_7 = vector.load %arg3[%get3A_5, %get3A_6] : memref<1024x248xf32, #tpu.memory_space<vmem>>, vector<1024x248xf32>
    %dot_general3A = arith.constant dense<0.000000e+00> : vector<512x1024xf32>
    %dot_general3A_8 = tpu.matmul %get3A_4, %get3A_7, %dot_general3A {dimension_numbers = #tpu.dot_dimension_numbers<[1], [1], [0], [0], [0, 0, 1, 0], [], []>, transpose_lhs_hint = false} : vector<512x248xf32>, vector<1024x248xf32>, vector<512x1024xf32> -> vector<512x1024xf32>
    %mul3A = arith.constant 2.000000e+00 : f32
    %mul3A_9 = vector.broadcast %mul3A : f32 to vector<512x1024xf32>
    %mul3A_10 = arith.mulf %mul3A_9, %dot_general3A_8 : vector<512x1024xf32>
    %sub3A = vector.broadcast %get3A_1 : vector<512x1xf32> to vector<512x1024xf32>
    %sub3A_11 = arith.subf %sub3A, %mul3A_10 : vector<512x1024xf32>
    %get3A_12 = arith.constant 0 : index
    %get3A_13 = arith.constant 0 : index
    %get3A_14 = vector.load %arg4[%get3A_12, %get3A_13] : memref<1x1024xf32, #tpu.memory_space<vmem>>, vector<1x1024xf32>
    %add3A = vector.broadcast %get3A_14 : vector<1x1024xf32> to vector<512x1024xf32>
    %add3A_15 = arith.addf %sub3A_11, %add3A : vector<512x1024xf32>
    %reduce_min3A = arith.constant dense<0x7F800000> : vector<512xf32>
    %reduce_min3A_16 = vector.multi_reduction <minimumf>, %add3A_15, %reduce_min3A [1] : vector<512x1024xf32> to vector<512xf32>
    %broadcast_in_dim3A = vector.shape_cast %reduce_min3A_16 : vector<512xf32> to vector<512x1xf32>
    %iota3A = tpu.iota {dimensions = array<i32: 1>} : vector<512x1024xi32>
    %eq3A = vector.broadcast %broadcast_in_dim3A : vector<512x1xf32> to vector<512x1024xf32>
    %eq3A_17 = arith.cmpf oeq, %add3A_15, %eq3A : vector<512x1024xf32>
    %jit3A = arith.constant 1024 : i32
    %broadcast_in_dim3A_18 = vector.broadcast %jit3A : i32 to vector<512x1024xi32>
    %select_n3A = arith.select %eq3A_17, %iota3A, %broadcast_in_dim3A_18 : vector<512x1024xi1>, vector<512x1024xi32>
    %reduce_min3A_19 = arith.constant dense<2147483647> : vector<512xi32>
    %reduce_min3A_20 = vector.multi_reduction <minsi>, %select_n3A, %reduce_min3A_19 [1] : vector<512x1024xi32> to vector<512xi32>
    %broadcast_in_dim3A_21 = vector.shape_cast %reduce_min3A_20 : vector<512xi32> to vector<512x1xi32>
    %swap3A = arith.constant 0 : index
    %swap3A_22 = arith.constant 0 : index
    %swap3A_23 = vector.load %arg5[%swap3A, %swap3A_22] : memref<512x1xi32, #tpu.memory_space<vmem>>, vector<512x1xi32>
    tpu.vector_store %arg5[%swap3A, %swap3A_22], %broadcast_in_dim3A_21 {strides = array<i32>} : memref<512x1xi32, #tpu.memory_space<vmem>>, vector<512x1xi32>,
    return
  }
  func.func @transform_0(%arg0: i32) -> (i32, i32) {
    %c0_i32 = arith.constant 0 : i32
    %c0_i32_0 = arith.constant 0 : i32
    return %arg0, %c0_i32 : i32, i32
  }
  func.func @transform_1(%arg0: i32) -> (i32, i32) {
    %c0_i32 = arith.constant 0 : i32
    %c0_i32_0 = arith.constant 0 : i32
    return %arg0, %c0_i32 : i32, i32
  }
  func.func @transform_2(%arg0: i32) -> (i32, i32) {
    %c0_i32 = arith.constant 0 : i32
    %c0_i32_0 = arith.constant 0 : i32
    %c0_i32_1 = arith.constant 0 : i32
    return %c0_i32, %c0_i32_0 : i32, i32
  }
  func.func @transform_3(%arg0: i32) -> (i32, i32) {
    %c0_i32 = arith.constant 0 : i32
    %c0_i32_0 = arith.constant 0 : i32
    %c0_i32_1 = arith.constant 0 : i32
    return %c0_i32, %c0_i32_0 : i32, i32
  }
  func.func @transform_4(%arg0: i32) -> (i32, i32) {
    %c0_i32 = arith.constant 0 : i32
    %c0_i32_0 = arith.constant 0 : i32
    return %arg0, %c0_i32 : i32, i32
  }
}

module attributes {stable_mosaic.version = 14 : i64} {
  func.func @_pitch_stage_kernel(%arg0: i32, %arg1: memref<512x8xf32, #tpu.memory_space<vmem>>, %arg2: memref<512x1xf32, #tpu.memory_space<vmem>>, %arg3: memref<256x8xf32, #tpu.memory_space<vmem>>, %arg4: memref<256x8xf32, #tpu.memory_space<vmem>>, %arg5: memref<256x8xf32, #tpu.memory_space<vmem>>, %arg6: memref<256x8xf32, #tpu.memory_space<vmem>>, %arg7: memref<1x256xf32, #tpu.memory_space<vmem>>, %arg8: memref<512x1xi32, #tpu.memory_space<vmem>>, %arg9: memref<512x8xf32, #tpu.memory_space<vmem>>, %arg10: memref<512x8xf32, #tpu.memory_space<vmem>>) attributes {dimension_semantics = [#tpu.dimension_semantics<arbitrary>], iteration_bounds = array<i64: 16>, scalar_prefetch = 0 : i64, scratch_operands = 0 : i64, tpu.core_type = #tpu.core_type<tc>, window_params = [{transform_indices = @transform_0, window_bounds = array<i64: 512, 8>}, {transform_indices = @transform_1, window_bounds = array<i64: 512, 1>}, {pipeline_mode = #tpu.pipeline_mode<synchronous>, transform_indices = @transform_2, window_bounds = array<i64: 256, 8>}, {pipeline_mode = #tpu.pipeline_mode<synchronous>, transform_indices = @transform_3, window_bounds = array<i64: 256, 8>}, {pipeline_mode = #tpu.pipeline_mode<synchronous>, transform_indices = @transform_4, window_bounds = array<i64: 256, 8>}, {pipeline_mode = #tpu.pipeline_mode<synchronous>, transform_indices = @transform_5, window_bounds = array<i64: 256, 8>}, {pipeline_mode = #tpu.pipeline_mode<synchronous>, transform_indices = @transform_6, window_bounds = array<i64: 1, 256>}, {transform_indices = @transform_7, window_bounds = array<i64: 512, 1>}, {transform_indices = @transform_8, window_bounds = array<i64: 512, 8>}, {transform_indices = @transform_9, window_bounds = array<i64: 512, 8>}]} {
    %get3A = arith.constant 0 : index
    %get3A_0 = arith.constant 0 : index
    %get3A_1 = vector.load %arg1[%get3A, %get3A_0] : memref<512x8xf32, #tpu.memory_space<vmem>>, vector<512x8xf32>
    %get3A_2 = arith.constant 0 : index
    %get3A_3 = arith.constant 0 : index
    %get3A_4 = vector.load %arg2[%get3A_2, %get3A_3] : memref<512x1xf32, #tpu.memory_space<vmem>>, vector<512x1xf32>
    %get3A_5 = arith.constant 0 : index
    %get3A_6 = arith.constant 0 : index
    %get3A_7 = vector.load %arg3[%get3A_5, %get3A_6] : memref<256x8xf32, #tpu.memory_space<vmem>>, vector<256x8xf32>
    %dot_general3A = arith.constant dense<0.000000e+00> : vector<512x256xf32>
    %dot_general3A_8 = tpu.matmul %get3A_1, %get3A_7, %dot_general3A {dimension_numbers = #tpu.dot_dimension_numbers<[1], [1], [0], [0], [0, 0, 1, 0], [], []>, transpose_lhs_hint = false} : vector<512x8xf32>, vector<256x8xf32>, vector<512x256xf32> -> vector<512x256xf32>
    %mul3A = arith.constant 2.000000e+00 : f32
    %mul3A_9 = vector.broadcast %mul3A : f32 to vector<512x256xf32>
    %mul3A_10 = arith.mulf %mul3A_9, %dot_general3A_8 : vector<512x256xf32>
    %sub3A = vector.broadcast %get3A_4 : vector<512x1xf32> to vector<512x256xf32>
    %sub3A_11 = arith.subf %sub3A, %mul3A_10 : vector<512x256xf32>
    %get3A_12 = arith.constant 0 : index
    %get3A_13 = arith.constant 0 : index
    %get3A_14 = vector.load %arg7[%get3A_12, %get3A_13] : memref<1x256xf32, #tpu.memory_space<vmem>>, vector<1x256xf32>
    %add3A = vector.broadcast %get3A_14 : vector<1x256xf32> to vector<512x256xf32>
    %add3A_15 = arith.addf %sub3A_11, %add3A : vector<512x256xf32>
    %reduce_min3A = arith.constant dense<0x7F800000> : vector<512xf32>
    %reduce_min3A_16 = vector.multi_reduction <minimumf>, %add3A_15, %reduce_min3A [1] : vector<512x256xf32> to vector<512xf32>
    %broadcast_in_dim3A = vector.shape_cast %reduce_min3A_16 : vector<512xf32> to vector<512x1xf32>
    %iota3A = tpu.iota {dimensions = array<i32: 1>} : vector<512x256xi32>
    %eq3A = vector.broadcast %broadcast_in_dim3A : vector<512x1xf32> to vector<512x256xf32>
    %eq3A_17 = arith.cmpf oeq, %add3A_15, %eq3A : vector<512x256xf32>
    %jit3A = arith.constant 256 : i32
    %broadcast_in_dim3A_18 = vector.broadcast %jit3A : i32 to vector<512x256xi32>
    %select_n3A = arith.select %eq3A_17, %iota3A, %broadcast_in_dim3A_18 : vector<512x256xi1>, vector<512x256xi32>
    %reduce_min3A_19 = arith.constant dense<2147483647> : vector<512xi32>
    %reduce_min3A_20 = vector.multi_reduction <minsi>, %select_n3A, %reduce_min3A_19 [1] : vector<512x256xi32> to vector<512xi32>
    %broadcast_in_dim3A_21 = vector.shape_cast %reduce_min3A_20 : vector<512xi32> to vector<512x1xi32>
    %eq3A_22 = vector.broadcast %broadcast_in_dim3A_21 : vector<512x1xi32> to vector<512x256xi32>
    %eq3A_23 = arith.cmpi eq, %iota3A, %eq3A_22 : vector<512x256xi32>
    %convert_element_type3A = arith.extui %eq3A_23 : vector<512x256xi1> to vector<512x256xi32>
    %convert_element_type3A_24 = arith.sitofp %convert_element_type3A : vector<512x256xi32> to vector<512x256xf32>
    %get3A_25 = arith.constant 0 : index
    %get3A_26 = arith.constant 0 : index
    %get3A_27 = vector.load %arg4[%get3A_25, %get3A_26] : memref<256x8xf32, #tpu.memory_space<vmem>>, vector<256x8xf32>
    %dot_general3A_28 = arith.constant dense<0.000000e+00> : vector<512x8xf32>
    %dot_general3A_29 = tpu.matmul %convert_element_type3A_24, %get3A_27, %dot_general3A_28 {dimension_numbers = #tpu.dot_dimension_numbers<[1], [0], [0], [1], [0, 0, 1, 1], [], []>, transpose_lhs_hint = false} : vector<512x256xf32>, vector<256x8xf32>, vector<512x8xf32> -> vector<512x8xf32>
    %get3A_30 = arith.constant 0 : index
    %get3A_31 = arith.constant 0 : index
    %get3A_32 = vector.load %arg5[%get3A_30, %get3A_31] : memref<256x8xf32, #tpu.memory_space<vmem>>, vector<256x8xf32>
    %dot_general3A_33 = arith.constant dense<0.000000e+00> : vector<512x8xf32>
    %dot_general3A_34 = tpu.matmul %convert_element_type3A_24, %get3A_32, %dot_general3A_33 {dimension_numbers = #tpu.dot_dimension_numbers<[1], [0], [0], [1], [0, 0, 1, 1], [], []>, transpose_lhs_hint = false} : vector<512x256xf32>, vector<256x8xf32>, vector<512x8xf32> -> vector<512x8xf32>
    %add3A_35 = arith.addf %dot_general3A_29, %dot_general3A_34 : vector<512x8xf32>
    %get3A_36 = arith.constant 0 : index
    %get3A_37 = arith.constant 0 : index
    %get3A_38 = vector.load %arg6[%get3A_36, %get3A_37] : memref<256x8xf32, #tpu.memory_space<vmem>>, vector<256x8xf32>
    %dot_general3A_39 = arith.constant dense<0.000000e+00> : vector<512x8xf32>
    %dot_general3A_40 = tpu.matmul %convert_element_type3A_24, %get3A_38, %dot_general3A_39 {dimension_numbers = #tpu.dot_dimension_numbers<[1], [0], [0], [1], [0, 0, 1, 1], [], []>, transpose_lhs_hint = false} : vector<512x256xf32>, vector<256x8xf32>, vector<512x8xf32> -> vector<512x8xf32>
    %add3A_41 = arith.addf %add3A_35, %dot_general3A_40 : vector<512x8xf32>
    %swap3A = arith.constant 0 : index
    %swap3A_42 = arith.constant 0 : index
    %swap3A_43 = vector.load %arg8[%swap3A, %swap3A_42] : memref<512x1xi32, #tpu.memory_space<vmem>>, vector<512x1xi32>
    tpu.vector_store %arg8[%swap3A, %swap3A_42], %broadcast_in_dim3A_21 {strides = array<i32>} : memref<512x1xi32, #tpu.memory_space<vmem>>, vector<512x1xi32>,
    %swap3A_44 = arith.constant 0 : index
    %swap3A_45 = arith.constant 0 : index
    %swap3A_46 = vector.load %arg9[%swap3A_44, %swap3A_45] : memref<512x8xf32, #tpu.memory_space<vmem>>, vector<512x8xf32>
    tpu.vector_store %arg9[%swap3A_44, %swap3A_45], %add3A_41 {strides = array<i32>} : memref<512x8xf32, #tpu.memory_space<vmem>>, vector<512x8xf32>,
    %sub3A_47 = arith.subf %get3A_1, %add3A_41 : vector<512x8xf32>
    %swap3A_48 = arith.constant 0 : index
    %swap3A_49 = arith.constant 0 : index
    %swap3A_50 = vector.load %arg10[%swap3A_48, %swap3A_49] : memref<512x8xf32, #tpu.memory_space<vmem>>, vector<512x8xf32>
    tpu.vector_store %arg10[%swap3A_48, %swap3A_49], %sub3A_47 {strides = array<i32>} : memref<512x8xf32, #tpu.memory_space<vmem>>, vector<512x8xf32>,
    return
  }
  func.func @transform_0(%arg0: i32) -> (i32, i32) {
    %c0_i32 = arith.constant 0 : i32
    %c0_i32_0 = arith.constant 0 : i32
    return %arg0, %c0_i32 : i32, i32
  }
  func.func @transform_1(%arg0: i32) -> (i32, i32) {
    %c0_i32 = arith.constant 0 : i32
    %c0_i32_0 = arith.constant 0 : i32
    return %arg0, %c0_i32 : i32, i32
  }
  func.func @transform_2(%arg0: i32) -> (i32, i32) {
    %c0_i32 = arith.constant 0 : i32
    %c0_i32_0 = arith.constant 0 : i32
    %c0_i32_1 = arith.constant 0 : i32
    return %c0_i32, %c0_i32_0 : i32, i32
  }
  func.func @transform_3(%arg0: i32) -> (i32, i32) {
    %c0_i32 = arith.constant 0 : i32
    %c0_i32_0 = arith.constant 0 : i32
    %c0_i32_1 = arith.constant 0 : i32
    return %c0_i32, %c0_i32_0 : i32, i32
  }
  func.func @transform_4(%arg0: i32) -> (i32, i32) {
    %c0_i32 = arith.constant 0 : i32
    %c0_i32_0 = arith.constant 0 : i32
    %c0_i32_1 = arith.constant 0 : i32
    return %c0_i32, %c0_i32_0 : i32, i32
  }
  func.func @transform_5(%arg0: i32) -> (i32, i32) {
    %c0_i32 = arith.constant 0 : i32
    %c0_i32_0 = arith.constant 0 : i32
    %c0_i32_1 = arith.constant 0 : i32
    return %c0_i32, %c0_i32_0 : i32, i32
  }
  func.func @transform_6(%arg0: i32) -> (i32, i32) {
    %c0_i32 = arith.constant 0 : i32
    %c0_i32_0 = arith.constant 0 : i32
    %c0_i32_1 = arith.constant 0 : i32
    return %c0_i32, %c0_i32_0 : i32, i32
  }
  func.func @transform_7(%arg0: i32) -> (i32, i32) {
    %c0_i32 = arith.constant 0 : i32
    %c0_i32_0 = arith.constant 0 : i32
    return %arg0, %c0_i32 : i32, i32
  }
  func.func @transform_8(%arg0: i32) -> (i32, i32) {
    %c0_i32 = arith.constant 0 : i32
    %c0_i32_0 = arith.constant 0 : i32
    return %arg0, %c0_i32 : i32, i32
  }
  func.func @transform_9(%arg0: i32) -> (i32, i32) {
    %c0_i32 = arith.constant 0 : i32
    %c0_i32_0 = arith.constant 0 : i32
    return %arg0, %c0_i32 : i32, i32
  }
}

module attributes {stable_mosaic.version = 14 : i64} {
  func.func @_final_kernel(%arg0: i32, %arg1: memref<512x248xf32, #tpu.memory_space<vmem>>, %arg2: memref<512x8xf32, #tpu.memory_space<vmem>>, %arg3: memref<512x8xf32, #tpu.memory_space<vmem>>, %arg4: memref<512x256xf32, #tpu.memory_space<vmem>>) attributes {dimension_semantics = [#tpu.dimension_semantics<arbitrary>], iteration_bounds = array<i64: 16>, scalar_prefetch = 0 : i64, scratch_operands = 0 : i64, tpu.core_type = #tpu.core_type<tc>, window_params = [{transform_indices = @transform_0, window_bounds = array<i64: 512, 248>}, {transform_indices = @transform_1, window_bounds = array<i64: 512, 8>}, {transform_indices = @transform_2, window_bounds = array<i64: 512, 8>}, {transform_indices = @transform_3, window_bounds = array<i64: 512, 256>}]} {
    %get3A = arith.constant 0 : index
    %get3A_0 = arith.constant 0 : index
    %get3A_1 = vector.load %arg2[%get3A, %get3A_0] : memref<512x8xf32, #tpu.memory_space<vmem>>, vector<512x8xf32>
    %get3A_2 = arith.constant 0 : index
    %get3A_3 = arith.constant 0 : index
    %get3A_4 = vector.load %arg3[%get3A_2, %get3A_3] : memref<512x8xf32, #tpu.memory_space<vmem>>, vector<512x8xf32>
    %add3A = arith.addf %get3A_1, %get3A_4 : vector<512x8xf32>
    %get3A_5 = arith.constant 0 : index
    %get3A_6 = arith.constant 0 : index
    %get3A_7 = vector.load %arg1[%get3A_5, %get3A_6] : memref<512x248xf32, #tpu.memory_space<vmem>>, vector<512x248xf32>
    %concatenate3A = tpu.concatenate %get3A_7, %add3A in 1 : vector<512x248xf32>, vector<512x8xf32> -> vector<512x256xf32>
    %slice3A = vector.extract_strided_slice %concatenate3A {offsets = [0, 0], sizes = [512, 248], strides = [1, 1]} : vector<512x256xf32> to vector<512x248xf32>
    %slice3A_8 = vector.extract_strided_slice %concatenate3A {offsets = [0, 248], sizes = [512, 8], strides = [1, 1]} : vector<512x256xf32> to vector<512x8xf32>
    %integer_pow3A = arith.mulf %slice3A, %slice3A : vector<512x248xf32>
    %reduce_sum3A = arith.constant dense<0.000000e+00> : vector<512xf32>
    %reduce_sum3A_9 = vector.multi_reduction <add>, %integer_pow3A, %reduce_sum3A [1] : vector<512x248xf32> to vector<512xf32>
    %broadcast_in_dim3A = vector.shape_cast %reduce_sum3A_9 : vector<512xf32> to vector<512x1xf32>
    %add3A_10 = arith.constant 9.99999974E-6 : f32
    %add3A_11 = vector.broadcast %add3A_10 : f32 to vector<512x1xf32>
    %add3A_12 = arith.addf %broadcast_in_dim3A, %add3A_11 : vector<512x1xf32>
    %sqrt3A = math.sqrt %add3A_12 : vector<512x1xf32>
    %eq3A = arith.constant 0.000000e+00 : f32
    %eq3A_13 = vector.broadcast %eq3A : f32 to vector<512x1xf32>
    %eq3A_14 = arith.cmpf oeq, %sqrt3A, %eq3A_13 : vector<512x1xf32>
    %jit3A = arith.constant 1.000000e+00 : f32
    %broadcast_in_dim3A_15 = vector.broadcast %jit3A : f32 to vector<512x1xf32>
    %select_n3A = arith.select %eq3A_14, %broadcast_in_dim3A_15, %sqrt3A : vector<512x1xi1>, vector<512x1xf32>
    %integer_pow3A_16 = arith.mulf %slice3A_8, %slice3A_8 : vector<512x8xf32>
    %reduce_sum3A_17 = arith.constant dense<0.000000e+00> : vector<512xf32>
    %reduce_sum3A_18 = vector.multi_reduction <add>, %integer_pow3A_16, %reduce_sum3A_17 [1] : vector<512x8xf32> to vector<512xf32>
    %broadcast_in_dim3A_19 = vector.shape_cast %reduce_sum3A_18 : vector<512xf32> to vector<512x1xf32>
    %add3A_20 = arith.constant 9.99999974E-6 : f32
    %add3A_21 = vector.broadcast %add3A_20 : f32 to vector<512x1xf32>
    %add3A_22 = arith.addf %broadcast_in_dim3A_19, %add3A_21 : vector<512x1xf32>
    %sqrt3A_23 = math.sqrt %add3A_22 : vector<512x1xf32>
    %eq3A_24 = arith.constant 0.000000e+00 : f32
    %eq3A_25 = vector.broadcast %eq3A_24 : f32 to vector<512x1xf32>
    %eq3A_26 = arith.cmpf oeq, %sqrt3A_23, %eq3A_25 : vector<512x1xf32>
    %jit3A_27 = arith.constant 1.000000e+00 : f32
    %broadcast_in_dim3A_28 = vector.broadcast %jit3A_27 : f32 to vector<512x1xf32>
    %select_n3A_29 = arith.select %eq3A_26, %broadcast_in_dim3A_28, %sqrt3A_23 : vector<512x1xi1>, vector<512x1xf32>
    %div3A = vector.broadcast %select_n3A : vector<512x1xf32> to vector<512x248xf32>
    %div3A_30 = arith.divf %slice3A, %div3A : vector<512x248xf32>
    %div3A_31 = vector.broadcast %select_n3A_29 : vector<512x1xf32> to vector<512x8xf32>
    %div3A_32 = arith.divf %slice3A_8, %div3A_31 : vector<512x8xf32>
    %concatenate3A_33 = tpu.concatenate %div3A_30, %div3A_32 in 1 : vector<512x248xf32>, vector<512x8xf32> -> vector<512x256xf32>
    %swap3A = arith.constant 0 : index
    %swap3A_34 = arith.constant 0 : index
    %swap3A_35 = vector.load %arg4[%swap3A, %swap3A_34] : memref<512x256xf32, #tpu.memory_space<vmem>>, vector<512x256xf32>
    tpu.vector_store %arg4[%swap3A, %swap3A_34], %concatenate3A_33 {strides = array<i32>} : memref<512x256xf32, #tpu.memory_space<vmem>>, vector<512x256xf32>,
    return
  }
  func.func @transform_0(%arg0: i32) -> (i32, i32) {
    %c0_i32 = arith.constant 0 : i32
    %c0_i32_0 = arith.constant 0 : i32
    return %arg0, %c0_i32 : i32, i32
  }
  func.func @transform_1(%arg0: i32) -> (i32, i32) {
    %c0_i32 = arith.constant 0 : i32
    %c0_i32_0 = arith.constant 0 : i32
    return %arg0, %c0_i32 : i32, i32
  }
  func.func @transform_2(%arg0: i32) -> (i32, i32) {
    %c0_i32 = arith.constant 0 : i32
    %c0_i32_0 = arith.constant 0 : i32
    return %arg0, %c0_i32 : i32, i32
  }
  func.func @transform_3(%arg0: i32) -> (i32, i32) {
    %c0_i32 = arith.constant 0 : i32
    %c0_i32_0 = arith.constant 0 : i32
    return %arg0, %c0_i32 : i32, i32
  }
}

</mosaic_0001>

<sc_bundles>
// kernel: kernel.14.cloned.1.call-start
scs
__scs_entry_jumppad:
0x0: {  	(pc) =	sbr.rel $0x88, $3  }
0x1: {  	(tag) =	ssettag $0x0;
	lr =	simm.s32 $0x1  }
0x2: {  	[smem:$0x3F90] =	sst lr;
	_ =	strace $0xD0000000  }
0x3: {  	_ = 	snop  }
0x4: {  	_ = 	snop  }
0x5: {  	_ = 	snop  }
0x6: {  	_ = 	snop  }
0x7: {  	_ = 	snop  }
__scs_overlays_trampoline_lowered:
0x8: {  	[smem:$0x3F9F] =	sst s0  }
0x9: {  	[smem:$0x3FA0] =	sst s1  }
0xa: {  	[smem:$0x3FA1] =	sst s2  }
0xb: {  	[smem:$0x3FA2] =	sst s3  }
0xc: {  	[smem:$0x3FA3] =	sst s4  }
0xd: {  	[smem:$0x3FA4] =	sst s5  }
0xe: {  	[smem:$0x3FA5] =	sst s6  }
0xf: {  	[smem:$0x3FA6] =	sst s7  }
0x10: {  	[smem:$0x3FA7] =	sst s8  }
0x11: {  	[smem:$0x3FA8] =	sst s9;
	s0 =	simm.s32 @!p0 $0x0  }
0x12: {  	s1 =	sld [smem:$0x3F8E];
	s0 =	simm.s32 @p0 $0x1  }
0x13: {  	[smem:$0x3FA9] =	sst s0;
	s0 =	simm.s32 @!p1 $0x0  }
0x14: {  	s2 =	sld [smem:$0x3F8D];
	s0 =	simm.s32 @p1 $0x1  }
0x15: {  	[smem:$0x3FAA] =	sst s0;
	s0 =	simm.s32 @!p2 $0x0  }
0x16: {  	s3 =	sld [smem:$0x3FDB];
	s0 =	simm.s32 @p2 $0x1  }
0x17: {  	s4 =	simm.s32 $0x1BF5;
	[smem:$0x3FAC] =	sst s0  }
0x18: {  	s0 =	sld [smem:$0x3F8F];
	_ =	swait.ge [sflag:s4], $0x0  }
0x19: {  	s7 =	sld [smem:$0x3F90]  }
0x1a: {  	s8 =	sadd.s32 $0xFFFFE003, lr  }
0x1b: {  	s9 =	sadd.s32 $0xFFFFFEF7, lr;
	s5 =	simm.s32 $0xFFFFFFFF;
	p2 =	slt.u32 s8, $0xFFFFF086  }
0x1c: {  	p1 =	slt.u32 s9, $0xF7A;
	s5 =	simm.s32 @!p2 $0x0  }
0x1d: {  	s5 =	simm.s32 @p1 $0x1;
	p0 =	seq.s32 s7, s2  }
0x1e: {  	s7 =	smul.u32 @!p0 $0xF7A, s2;
	p2 =	seq.s32 @!p0 s5, $0x0  }
0x1f: {  	s9 =	smul.u32 $0xF7A, s1;
	s8 =	simm.s32 @!p0 $0x1BF5;
	p2 =	por !p2, p0  }
0x20: {  	[sflag:s8] =	ssyncset.s32 @!p0 $0xFFFFF086;
	s6 =	sadd.s32 @!p0 s3, s7;
	s7 =	simm.s32 @!p0 $0x108  }
0x21: {  	s3 =	sadd.s32 s3, s9;
	s6 =	sadd.s32 @!p0 $0x88, s6;
	s7 =	simm.s32 @p2 $0x1082  }
0x22: {  	[simem:s7], [sflag:s8] =	dma.local @!p0 [hbm:s6], $0xF7A  }
0x23: {  	s9 =	sor.u32 $0xD0000000, s2;
	s6 =	simm.s32 $0x108;
	_ =	swait.ge @!p0 [sflag:s8], $0x0  }
0x24: {  	s3 =	sadd.s32 $0x88, s3;
	s6 =	simm.s32 @!p1 $0x1082;
	[sflag:s4] =	ssyncset.s32 $0xFFFFF086  }
0x25: {  	[simem:s6], [sflag:s4] =	dma.local [hbm:s3], $0xF7A  }
0x26: {  	[smem:$0x3F90] =	sst s1;
	(tag) =	ssettag s2;
	_ =	strace s9  }
0x27: {  	s1 =	sld [smem:$0x3FA0]  }
0x28: {  	s2 =	sld [smem:$0x3FA1]  }
0x29: {  	s4 =	sld [smem:$0x3FA3]  }
0x2a: {  	p0 =	seq.s32 s5, $0x0;
	s5 =	sld [smem:$0x3FA4]  }
0x2b: {  	s6 =	sld [smem:$0x3FA5]  }
0x2c: {  	s7 =	sld [smem:$0x3FA6]  }
0x2d: {  	s3 =	simm.s32 $0x108;
	s8 =	sld [smem:$0x3FA7]  }
0x2e: {  	s3 =	simm.s32 @!p0 $0x1082;
	s9 =	sld [smem:$0x3FA8]  }
0x2f: {  	lr =	sadd.s32 s0, s3;
	s0 =	sld [smem:$0x3F9F]  }
0x30: {  	s3 =	sld [smem:$0x3FA2]  }
0x31: {  	[smem:$0x3FAB] =	sst s10  }
0x32: {  	s10 =	sld [smem:$0x3FA9];
	_ =	sdelay $0x3  }
0x33: {  	p0 =	seq.s32 s10, $0x1;
	s10 =	sld [smem:$0x3FAB];
	_ =	sdelay $0x3  }
0x34: {  	[smem:$0x3FAB] =	sst s10  }
0x35: {  	s10 =	sld [smem:$0x3FAA];
	_ =	sdelay $0x3  }
0x36: {  	p1 =	seq.s32 s10, $0x1;
	s10 =	sld [smem:$0x3FAB];
	_ =	sdelay $0x3  }
0x37: {  	[smem:$0x3FAB] =	sst s10  }
0x38: {  	s10 =	sld [smem:$0x3FAC]  }
0x39: {  	_ = 	snop;
	(pc) =	sbr.ind lr, $3  }
0x3a: {  	_ = 	snop  }
0x3b: {  	_ = 	snop  }
0x3c: {  	p2 =	seq.s32 s10, $0x1;
	s10 =	sld [smem:$0x3FAB]  }
0x3d: {  	_ =	shalt  }
0x3e: {  	_ =	shalt  }
0x3f: {  	_ =	shalt  }
0x40: {  	_ =	shalt  }
0x41: {  	_ =	shalt  }
0x42: {  	_ =	shalt  }
0x43: {  	_ =	shalt  }
0x44: {  	_ =	shalt  }
0x45: {  	_ =	shalt  }
0x46: {  	_ =	shalt  }
0x47: {  	_ =	shalt  }
0x48: {  	_ =	shalt  }
0x49: {  	_ =	shalt  }
0x4a: {  	_ =	shalt  }
0x4b: {  	_ =	shalt  }
0x4c: {  	_ =	shalt  }
0x4d: {  	_ =	shalt  }
0x4e: {  	_ =	shalt  }
0x4f: {  	_ =	shalt  }
0x50: {  	_ =	shalt  }
0x51: {  	_ =	shalt  }
0x52: {  	_ =	shalt  }
0x53: {  	_ =	shalt  }
0x54: {  	_ =	shalt  }
0x55: {  	_ =	shalt  }
0x56: {  	_ =	shalt  }
0x57: {  	_ =	shalt  }
0x58: {  	_ =	shalt  }
0x59: {  	_ =	shalt  }
0x5a: {  	_ =	shalt  }
0x5b: {  	_ =	shalt  }
0x5c: {  	_ =	shalt  }
0x5d: {  	_ =	shalt  }
0x5e: {  	_ =	shalt  }
0x5f: {  	_ =	shalt  }
0x60: {  	_ =	shalt  }
0x61: {  	_ =	shalt  }
0x62: {  	_ =	shalt  }
0x63: {  	_ =	shalt  }
0x64: {  	_ =	shalt  }
0x65: {  	_ =	shalt  }
0x66: {  	_ =	shalt  }
0x67: {  	_ =	shalt  }
0x68: {  	_ =	shalt  }
0x69: {  	_ =	shalt  }
0x6a: {  	_ =	shalt  }
0x6b: {  	_ =	shalt  }
0x6c: {  	_ =	shalt  }
0x6d: {  	_ =	shalt  }
0x6e: {  	_ =	shalt  }
0x6f: {  	_ =	shalt  }
0x70: {  	_ =	shalt  }
0x71: {  	_ =	shalt  }
0x72: {  	_ =	shalt  }
0x73: {  	_ =	shalt  }
0x74: {  	_ =	shalt  }
0x75: {  	_ =	shalt  }
0x76: {  	_ =	shalt  }
0x77: {  	_ =	shalt  }
0x78: {  	_ =	shalt  }
0x79: {  	_ =	shalt  }
0x7a: {  	_ =	shalt  }
0x7b: {  	_ =	shalt  }
0x7c: {  	_ =	shalt  }
0x7d: {  	_ =	shalt  }
0x7e: {  	_ =	shalt  }
0x7f: {  	_ =	shalt  }
0x80: {  	_ =	shalt  }
0x81: {  	_ =	shalt  }
0x82: {  	_ =	shalt  }
0x83: {  	_ =	shalt  }
0x84: {  	_ =	shalt  }
0x85: {  	_ =	shalt  }
0x86: {  	_ =	shalt  }
0x87: {  	_ =	shalt  }
.Lfunc_end0:
.L_simem_size_0:
called_computation_lowered:
.L_overlay_start_0:
0x88: {  	s2 =	sld [smem:$0x3FD9]  }
0x89: {  	s3 =	sld [smem:$0x3FFE];
	_ =	sdelay $0x1  }
0x8a: {  	s1 =	srdreg.scid  }
0x8b: {  	s0 =	sand.u32 $0x1, s1  }
0x8c: {  	s14 =	sshll.u32 s0, $0xA;
	s2 =	sadd.s32 s3, s2  }
0x8d: {  	s2 =	sadd.s32 s2, s14  }
0x8e: {  	[smem:$0x3FB7] =	sst s2  }
0x8f: {  	_ = 	snop  }
0x90: {  	s2 =	sld [smem:$0x3FD0];
	_ =	sdelay $0x2  }
0x91: {  	s15 =	simm.s32 $0xA;
	s4 =	simm.s32 $0x10  }
0x92: {  	[smem:s4], [sflag:s15] =	dma.local [hbm:s2], $0x1  }
0x93: {  	_ =	swait.eq [sflag:s15], $0x1  }
0x94: {  	[sflag:s15] =	ssyncset.done $0x0  }
0x95: {  	[sflag:s15] =	ssyncadd.s32 $0xFFFFFFFF  }
0x96: {  	s16 =	sld [smem:$0x10];
	(tm) =	ssettm $0x1  }
0x97: {  	s17 =	sld [smem:$0x3FFB];
	_ =	sdelay $0x3  }
0x98: {  	_ =	strace s17  }
0x99: {  	s3 =	sld [smem:$0x3FFC];
	_ =	sdelay $0x3  }
0x9a: {  	_ =	strace s3  }
0x9b: {  	s3 =	sld [smem:$0x3FFD];
	_ =	sdelay $0x3  }
0x9c: {  	_ =	strace s3  }
0x9d: {  	_ =	strace $0x8FFFFFFF  }
0x9e: {  	s18 =	sld [smem:$0x3FDB];
	_ =	sdelay $0x1  }
0x9f: {  	s19 =	simm.s32 $_scs_section_size  }
0xa0: {  	s5 =	simm.s32 $_size__tile_overlayer_lowered;
	s6 =	simm.s32 $_tile_overlayer_lowered  }
0xa1: {  	s22 =	simm.s32 $0x1BFF;
	s21 =	sshll.u32 s6, $0x1;
	s3 =	sadd.s32 s19, s18  }
0xa2: {  	s7 =	simm.s32 $0x0;
	s20 =	sshll.u32 s5, $0x1;
	s5 =	sadd.s32 s21, s3  }
0xa3: {  	[timem:s7], [sflag:s22] =	dma.local [hbm:s5], s20  }
0xa4: {  	_ =	swait.ge [sflag:s22], s20  }
0xa5: {  	s4 =	ssub.s32 $0x0, s20;
	[sflag:s22] =	ssyncset.done $0x0  }
0xa6: {  	[sflag:s22] =	ssyncadd.s32 s4;
	_ =	sdelay $0x1  }
0xa7: {  	s23 =	simm.s32 $0x1B8B  }
0xa8: {  	_ =	swait.ge [sflag:s23], $0x1  }
0xa9: {  	[sflag:s23] =	ssyncset.done $0x0  }
0xaa: {  	s25 =	simm.s32 $0x1B8E;
	s24 =	sld [smem:$0x3FFE];
	[sflag:s23] =	ssyncadd.s32 $0xFFFFFFFF  }
0xab: {  	s26 =	simm.s32 $execute0_lowered;
	[smem:$0x3FD2] =	sst s25  }
0xac: {  	s5 =	sshll.u32 s26, $0x1;
	_ =	strace $0x80000046;
	[dreg:$0x1] =	wrdreg $0xFFFFFFFF  }
0xad: {  	s28 =	simm.s32 $_size_execute0_lowered;
	s3 =	sadd.s32 s3, s5;
	[dreg:$0x0] =	wrdreg $0x0  }
0xae: {  	s5 =	sshll.u32 s28, $0x1;
	[dreg:$0x2] =	wrdreg s3  }
0xaf: {  	[dreg:$0x3] =	wrdreg s5  }
0xb0: {  	[dreg:$0x4] =	wrdreg $0xC0  }
0xb1: {  	_ =	task [dreg:s7], $0x5FFFF  }
0xb2: {  	[dreg:$0x1] =	wrdreg $0xFFFFFFFF  }
0xb3: {  	[dreg:$0x0] =	wrdreg $0x60  }
0xb4: {  	[dreg:$0x2] =	wrdreg s24  }
0xb5: {  	[dreg:$0x3] =	wrdreg s16  }
0xb6: {  	[dreg:$0x4] =	wrdreg $0x9  }
0xb7: {  	_ =	task.clear_ibuf [dreg:s7], $0x5FFFF;
	_ =	strace $0x90000046  }
0xb8: {  	s29 =	simm.s32 $0x9;
	_ =	strace $0x80000048  }
0xb9: {  	_ =	swait.ge [sflag:s29], $0x1  }
0xba: {  	[sflag:s29] =	ssyncadd.s32 $0xFFFFFFFF  }
0xbb: {  	_ =	strace $0x90000048  }
0xbc: {  	_ =	sfence  }
0xbd: {  	s30 =	sld [smem:$0x0];
	_ =	sdelay $0x2  }
0xbe: {  	s31 =	sshll.u32 s1, $0xD;
	s1 =	sshrl.u32 s1, $0x2  }
0xbf: {  	s3 =	sand.u32 $0x4000, s31;
	s1 =	sadd.s32 s1, s30  }
0xc0: {  	s0 =	sor.u32 s3, s0;
	s1 =	sshll.u32 s1, $0x11  }
0xc1: {  	s0 =	sor.u32 s1, s0  }
0xc2: {  	s0 =	sadd.s32 $0x8F2B, s0  }
0xc3: {  	[sflag:s0] =	ssyncadd.remote.s32 $0x1  }
0xc4: {  	_ =	sfence.sel $0xFFFF  }
0xc5: {  	[dreg:$0x0] =	wrdreg $0xFFFFFFFF;
	(pc) =	sbr.abs _section_cstart, $3  }
0xc6: {  	[dreg:$0x1] =	wrdreg $0xFFFFFFFF  }
0xc7: {  	_ =	task.clear_ibuf [dreg:s7], $0x2FFFF;
	_ =	strace $0x9FFFFFFF  }
0xc8: {  	(tm) =	ssettm $0x7FFFFFFF  }
0xc9: {  	_ =	shalt  }
tec
execute0_lowered:
.L_overlay_start_1:
0x0: {  	(tag) =	ssettag $0x1  }
0x1: {  	s1 =	srdreg.scid  }
0x2: {  	s3 =	rddreg [dreg:$0x0];
	s0 =	stileid.u32  }
0x3: {  	s4 =	rddreg [dreg:$0x1];
	s2 =	simm.s32 $0x0;
	s19 =	simm.s32 $0x900  }
0x4: {  	s20 =	simm.s32 $0x1100;
	s21 =	simm.s32 $0x1900;
	s23 =	simm.s32 $0x2100  }
0x5: {  	s24 =	simm.s32 $0x2900;
	s25 =	simm.s32 $0x3100;
	s26 =	simm.s32 $0x3900  }
0x6: {  	s8 =	simm.s32 $0x4900;
	s9 =	simm.s32 $0x5100;
	s10 =	simm.s32 $0x5900  }
0x7: {  	s11 =	simm.s32 $0x6100;
	s12 =	simm.s32 $0x6900;
	[smem:$0x7FF] =	sst s2  }
0x8: {  	s13 =	simm.s32 $0x7100;
	_ =	strace $0x80000047;
	[dreg:$0x5] =	wrdreg s19  }
0x9: {  	s14 =	simm.s32 $0x7900;
	s15 =	simm.s32 $0x8100;
	[dreg:$0x6] =	wrdreg s20  }
0xa: {  	s16 =	simm.s32 $0x8900;
	s17 =	simm.s32 $0x9100;
	[dreg:$0x7] =	wrdreg s21  }
0xb: {  	s28 =	simm.s32 $0xE100;
	s29 =	simm.s32 $0xE900;
	[dreg:$0x8] =	wrdreg s23  }
0xc: {  	s30 =	simm.s32 $0xF100;
	s31 =	simm.s32 $0xF900;
	[dreg:$0x9] =	wrdreg s24  }
0xd: {  	s1 =	sand.u32 $0x1, s1;
	s5 =	sshll.u32 s0, $0x9;
	[dreg:$0xa] =	wrdreg s25  }
0xe: {  	s6 =	sshll.u32 s1, $0x8;
	s1 =	ssub.s32 $0x2, s1;
	[dreg:$0xb] =	wrdreg s26  }
0xf: {  	s19 =	simm.s32 $0xA100;
	s20 =	simm.s32 $0xA900;
	s21 =	simm.s32 $0xB100  }
0x10: {  	s23 =	simm.s32 $0xC100;
	s24 =	simm.s32 $0xC900;
	s25 =	simm.s32 $0xD100  }
0x11: {  	s26 =	simm.s32 $0xD900;
	s5 =	sor.u32 s6, s5;
	s22 =	sshrl.u32 s1, $0x1  }
0x12: {  	s6 =	sshll.u32 s5, $0x5;
	s5 =	sshrl.u32 s5, $0x3;
	s1 =	ssub.s32 s1, s22  }
0x13: {  	s22 =	simm.s32 $0xB900;
	s6 =	sadd.s32 s6, s3;
	s4 =	sadd.s32 s4, s5  }
0x14: {  	v2 =	vlaneseq.u32;
	s3 =	sadd.s32 $0x400, s3;
	s5 =	simm.s32 $0x2;
	[dreg:$0x3] =	wrdreg s4  }
0x15: {  	vm0 =	vmmov $0xffff;
	v1 =	vshrl.u32 v2, $0x3;
	s18 =	sadd.s32 $0x98400, s6;
	s4 =	smax.u32 s1, $0x1;
	s6 =	simm.s32 $0x100  }
0x16: {  	v0 =	vand.u32 $0x7, v2;
	v2 =	vor.u32 $0x8, v2;
	v1 =	vmul.u32 $0x8, v1;
	s1 =	simm.s32 $0x1;
	[dreg:$0x4] =	wrdreg s18;
	s18 =	simm.s32 $0x9900  }
.LBB2_1:
0x17: {  	s0 =	rddreg [dreg:$0x3]  }
0x18: {  	[tilespmem:s2], [sflag:$0x2] =	stream.linear.gather [hbm4b:s0+s2], $0x100, $0x38;
	[tilespmem:$0x10100] =	vst v63  }
0x19: {  	_ =	swait.ge [sflag:s5], $0x100  }
0x1a: {  	[sflag:s5] =	ssyncset.done $0x0  }
0x1b: {  	[sflag:s5] =	ssyncadd.s32 $0xFFFFFF00  }
0x1c: {  	v3 =	vld [tilespmem:$0x0];
	_ =	sdelay $0x4  }
0x1d: {  	v4 =	vshll.u32 v3, $0x1  }
0x1e: {  	v3 =	vand.u32 $0x7, v3;
	v4 =	vand.u32 $0xFFFFFFF0, v4  }
0x1f: {  	v3 =	vor.u32 v3, v4  }
0x20: {  	v4 =	vperm.xlane v3, v0;
	_ =	sdelay $0x1  }
0x21: {  	v3 =	vperm.xlane v3, v2;
	v4 =	vadd.s32 v1, v4;
	_ =	sdelay $0x1  }
0x22: {  	v3 =	vadd.s32 v1, v3;
	_ =	sdelay $0x2  }
0x23: {  	[tilespmem:s6], [sflag:$0x1] =	stream.indirect_vreg.gather [hbm4b:s3+s2], $0x80, v4, vm0, $0xb8;
	[tilespmem:$0x10100] =	vst v63  }
0x24: {  	s7 =	rddreg [dreg:$0x5]  }
0x25: {  	[tilespmem:s7], [sflag:$0x1] =	stream.indirect_vreg.gather [hbm4b:s3+s2], $0x80, v3, vm0, $0xb8;
	[tilespmem:$0x10100] =	vst v63  }
0x26: {  	v3 =	vld [tilespmem:$0x10];
	_ =	sdelay $0x4  }
0x27: {  	v49 =	vshll.u32 v3, $0x1  }
0x28: {  	v3 =	vand.u32 $0x7, v3;
	v4 =	vand.u32 $0xFFFFFFF0, v49  }
0x29: {  	v3 =	vor.u32 v3, v4  }
0x2a: {  	v4 =	vperm.xlane v3, v0;
	_ =	sdelay $0x1  }
0x2b: {  	v3 =	vperm.xlane v3, v2;
	v4 =	vadd.s32 v1, v4;
	_ =	sdelay $0x1  }
0x2c: {  	v3 =	vadd.s32 v1, v3;
	_ =	sdelay $0x1  }
0x2d: {  	s0 =	rddreg [dreg:$0x6]  }
0x2e: {  	[tilespmem:s0], [sflag:$0x1] =	stream.indirect_vreg.gather [hbm4b:s3+s2], $0x80, v4, vm0, $0xb8;
	[tilespmem:$0x10100] =	vst v63  }
0x2f: {  	s7 =	rddreg [dreg:$0x7]  }
0x30: {  	[tilespmem:s7], [sflag:$0x1] =	stream.indirect_vreg.gather [hbm4b:s3+s2], $0x80, v3, vm0, $0xb8;
	[tilespmem:$0x10100] =	vst v63  }
0x31: {  	v3 =	vld [tilespmem:$0x20];
	_ =	sdelay $0x4  }
0x32: {  	v50 =	vshll.u32 v3, $0x1  }
0x33: {  	v3 =	vand.u32 $0x7, v3;
	v4 =	vand.u32 $0xFFFFFFF0, v50  }
0x34: {  	v3 =	vor.u32 v3, v4  }
0x35: {  	v4 =	vperm.xlane v3, v0;
	_ =	sdelay $0x1  }
0x36: {  	v3 =	vperm.xlane v3, v2;
	v4 =	vadd.s32 v1, v4;
	_ =	sdelay $0x1  }
0x37: {  	v3 =	vadd.s32 v1, v3;
	_ =	sdelay $0x1  }
0x38: {  	s0 =	rddreg [dreg:$0x8]  }
0x39: {  	[tilespmem:s0], [sflag:$0x1] =	stream.indirect_vreg.gather [hbm4b:s3+s2], $0x80, v4, vm0, $0xb8;
	[tilespmem:$0x10100] =	vst v63  }
0x3a: {  	s7 =	rddreg [dreg:$0x9]  }
0x3b: {  	[tilespmem:s7], [sflag:$0x1] =	stream.indirect_vreg.gather [hbm4b:s3+s2], $0x80, v3, vm0, $0xb8;
	[tilespmem:$0x10100] =	vst v63  }
0x3c: {  	v3 =	vld [tilespmem:$0x30];
	_ =	sdelay $0x4  }
0x3d: {  	v51 =	vshll.u32 v3, $0x1  }
0x3e: {  	v3 =	vand.u32 $0x7, v3;
	v4 =	vand.u32 $0xFFFFFFF0, v51  }
0x3f: {  	v3 =	vor.u32 v3, v4  }
0x40: {  	v4 =	vperm.xlane v3, v0;
	_ =	sdelay $0x1  }
0x41: {  	v3 =	vperm.xlane v3, v2;
	v4 =	vadd.s32 v1, v4;
	_ =	sdelay $0x1  }
0x42: {  	v3 =	vadd.s32 v1, v3;
	_ =	sdelay $0x1  }
0x43: {  	s0 =	rddreg [dreg:$0xa]  }
0x44: {  	[tilespmem:s0], [sflag:$0x1] =	stream.indirect_vreg.gather [hbm4b:s3+s2], $0x80, v4, vm0, $0xb8;
	[tilespmem:$0x10100] =	vst v63  }
0x45: {  	s7 =	rddreg [dreg:$0xb]  }
0x46: {  	[tilespmem:s7], [sflag:$0x1] =	stream.indirect_vreg.gather [hbm4b:s3+s2], $0x80, v3, vm0, $0xb8;
	[tilespmem:$0x10100] =	vst v63  }
0x47: {  	v3 =	vld [tilespmem:$0x40];
	_ =	sdelay $0x4  }
0x48: {  	v52 =	vshll.u32 v3, $0x1  }
0x49: {  	v3 =	vand.u32 $0x7, v3;
	v4 =	vand.u32 $0xFFFFFFF0, v52  }
0x4a: {  	v3 =	vor.u32 v3, v4  }
0x4b: {  	v4 =	vperm.xlane v3, v0;
	_ =	sdelay $0x1  }
0x4c: {  	v3 =	vperm.xlane v3, v2;
	v4 =	vadd.s32 v1, v4;
	_ =	sdelay $0x1  }
0x4d: {  	v3 =	vadd.s32 v1, v3;
	_ =	sdelay $0x1  }
0x4e: {  	s7 =	simm.s32 $0x4100  }
0x4f: {  	[tilespmem:s7], [sflag:$0x1] =	stream.indirect_vreg.gather [hbm4b:s3+s2], $0x80, v4, vm0, $0xb8;
	[tilespmem:$0x10100] =	vst v63  }
0x50: {  	_ = 	snop  }
0x51: {  	[tilespmem:s8], [sflag:$0x1] =	stream.indirect_vreg.gather [hbm4b:s3+s2], $0x80, v3, vm0, $0xb8;
	[tilespmem:$0x10100] =	vst v63  }
0x52: {  	v3 =	vld [tilespmem:$0x50];
	_ =	sdelay $0x4  }
0x53: {  	v53 =	vshll.u32 v3, $0x1  }
0x54: {  	v3 =	vand.u32 $0x7, v3;
	v4 =	vand.u32 $0xFFFFFFF0, v53  }
0x55: {  	v3 =	vor.u32 v3, v4  }
0x56: {  	v4 =	vperm.xlane v3, v0;
	_ =	sdelay $0x1  }
0x57: {  	v3 =	vperm.xlane v3, v2;
	v4 =	vadd.s32 v1, v4;
	_ =	sdelay $0x1  }
0x58: {  	v3 =	vadd.s32 v1, v3;
	_ =	sdelay $0x2  }
0x59: {  	[tilespmem:s9], [sflag:$0x1] =	stream.indirect_vreg.gather [hbm4b:s3+s2], $0x80, v4, vm0, $0xb8;
	[tilespmem:$0x10100] =	vst v63  }
0x5a: {  	_ = 	snop  }
0x5b: {  	[tilespmem:s10], [sflag:$0x1] =	stream.indirect_vreg.gather [hbm4b:s3+s2], $0x80, v3, vm0, $0xb8;
	[tilespmem:$0x10100] =	vst v63  }
0x5c: {  	v3 =	vld [tilespmem:$0x60];
	_ =	sdelay $0x4  }
0x5d: {  	v54 =	vshll.u32 v3, $0x1  }
0x5e: {  	v3 =	vand.u32 $0x7, v3;
	v4 =	vand.u32 $0xFFFFFFF0, v54  }
0x5f: {  	v3 =	vor.u32 v3, v4  }
0x60: {  	v4 =	vperm.xlane v3, v0;
	_ =	sdelay $0x1  }
0x61: {  	v3 =	vperm.xlane v3, v2;
	v4 =	vadd.s32 v1, v4;
	_ =	sdelay $0x1  }
0x62: {  	v3 =	vadd.s32 v1, v3;
	_ =	sdelay $0x2  }
0x63: {  	[tilespmem:s11], [sflag:$0x1] =	stream.indirect_vreg.gather [hbm4b:s3+s2], $0x80, v4, vm0, $0xb8;
	[tilespmem:$0x10100] =	vst v63  }
0x64: {  	_ = 	snop  }
0x65: {  	[tilespmem:s12], [sflag:$0x1] =	stream.indirect_vreg.gather [hbm4b:s3+s2], $0x80, v3, vm0, $0xb8;
	[tilespmem:$0x10100] =	vst v63  }
0x66: {  	v3 =	vld [tilespmem:$0x70];
	_ =	sdelay $0x4  }
0x67: {  	v55 =	vshll.u32 v3, $0x1  }
0x68: {  	v3 =	vand.u32 $0x7, v3;
	v4 =	vand.u32 $0xFFFFFFF0, v55  }
0x69: {  	v3 =	vor.u32 v3, v4  }
0x6a: {  	v4 =	vperm.xlane v3, v0;
	_ =	sdelay $0x1  }
0x6b: {  	v3 =	vperm.xlane v3, v2;
	v4 =	vadd.s32 v1, v4;
	_ =	sdelay $0x1  }
0x6c: {  	v3 =	vadd.s32 v1, v3;
	_ =	sdelay $0x2  }
0x6d: {  	[tilespmem:s13], [sflag:$0x1] =	stream.indirect_vreg.gather [hbm4b:s3+s2], $0x80, v4, vm0, $0xb8;
	[tilespmem:$0x10100] =	vst v63  }
0x6e: {  	_ = 	snop  }
0x6f: {  	[tilespmem:s14], [sflag:$0x1] =	stream.indirect_vreg.gather [hbm4b:s3+s2], $0x80, v3, vm0, $0xb8;
	[tilespmem:$0x10100] =	vst v63  }
0x70: {  	v3 =	vld [tilespmem:$0x80];
	_ =	sdelay $0x4  }
0x71: {  	v56 =	vshll.u32 v3, $0x1  }
0x72: {  	v3 =	vand.u32 $0x7, v3;
	v4 =	vand.u32 $0xFFFFFFF0, v56  }
0x73: {  	v3 =	vor.u32 v3, v4  }
0x74: {  	v4 =	vperm.xlane v3, v0;
	_ =	sdelay $0x1  }
0x75: {  	v3 =	vperm.xlane v3, v2;
	v4 =	vadd.s32 v1, v4;
	_ =	sdelay $0x1  }
0x76: {  	v3 =	vadd.s32 v1, v3;
	_ =	sdelay $0x2  }
0x77: {  	[tilespmem:s15], [sflag:$0x1] =	stream.indirect_vreg.gather [hbm4b:s3+s2], $0x80, v4, vm0, $0xb8;
	[tilespmem:$0x10100] =	vst v63  }
0x78: {  	_ = 	snop  }
0x79: {  	[tilespmem:s16], [sflag:$0x1] =	stream.indirect_vreg.gather [hbm4b:s3+s2], $0x80, v3, vm0, $0xb8;
	[tilespmem:$0x10100] =	vst v63  }
0x7a: {  	v3 =	vld [tilespmem:$0x90];
	_ =	sdelay $0x4  }
0x7b: {  	v57 =	vshll.u32 v3, $0x1  }
0x7c: {  	v3 =	vand.u32 $0x7, v3;
	v4 =	vand.u32 $0xFFFFFFF0, v57  }
0x7d: {  	v3 =	vor.u32 v3, v4  }
0x7e: {  	v4 =	vperm.xlane v3, v0;
	_ =	sdelay $0x1  }
0x7f: {  	v3 =	vperm.xlane v3, v2;
	v4 =	vadd.s32 v1, v4;
	_ =	sdelay $0x1  }
0x80: {  	v3 =	vadd.s32 v1, v3;
	_ =	sdelay $0x2  }
0x81: {  	[tilespmem:s17], [sflag:$0x1] =	stream.indirect_vreg.gather [hbm4b:s3+s2], $0x80, v4, vm0, $0xb8;
	[tilespmem:$0x10100] =	vst v63  }
0x82: {  	_ = 	snop  }
0x83: {  	[tilespmem:s18], [sflag:$0x1] =	stream.indirect_vreg.gather [hbm4b:s3+s2], $0x80, v3, vm0, $0xb8;
	[tilespmem:$0x10100] =	vst v63  }
0x84: {  	v3 =	vld [tilespmem:$0xA0];
	_ =	sdelay $0x4  }
0x85: {  	v58 =	vshll.u32 v3, $0x1  }
0x86: {  	v3 =	vand.u32 $0x7, v3;
	v4 =	vand.u32 $0xFFFFFFF0, v58  }
0x87: {  	v3 =	vor.u32 v3, v4  }
0x88: {  	v4 =	vperm.xlane v3, v0;
	_ =	sdelay $0x1  }
0x89: {  	v3 =	vperm.xlane v3, v2;
	v4 =	vadd.s32 v1, v4;
	_ =	sdelay $0x1  }
0x8a: {  	v3 =	vadd.s32 v1, v3;
	_ =	sdelay $0x2  }
0x8b: {  	[tilespmem:s19], [sflag:$0x1] =	stream.indirect_vreg.gather [hbm4b:s3+s2], $0x80, v4, vm0, $0xb8;
	[tilespmem:$0x10100] =	vst v63  }
0x8c: {  	_ = 	snop  }
0x8d: {  	[tilespmem:s20], [sflag:$0x1] =	stream.indirect_vreg.gather [hbm4b:s3+s2], $0x80, v3, vm0, $0xb8;
	[tilespmem:$0x10100] =	vst v63  }
0x8e: {  	v3 =	vld [tilespmem:$0xB0];
	_ =	sdelay $0x4  }
0x8f: {  	v59 =	vshll.u32 v3, $0x1  }
0x90: {  	v3 =	vand.u32 $0x7, v3;
	v4 =	vand.u32 $0xFFFFFFF0, v59  }
0x91: {  	v3 =	vor.u32 v3, v4  }
0x92: {  	v4 =	vperm.xlane v3, v0;
	_ =	sdelay $0x1  }
0x93: {  	v3 =	vperm.xlane v3, v2;
	v4 =	vadd.s32 v1, v4;
	_ =	sdelay $0x1  }
0x94: {  	v3 =	vadd.s32 v1, v3;
	_ =	sdelay $0x2  }
0x95: {  	[tilespmem:s21], [sflag:$0x1] =	stream.indirect_vreg.gather [hbm4b:s3+s2], $0x80, v4, vm0, $0xb8;
	[tilespmem:$0x10100] =	vst v63  }
0x96: {  	_ = 	snop  }
0x97: {  	[tilespmem:s22], [sflag:$0x1] =	stream.indirect_vreg.gather [hbm4b:s3+s2], $0x80, v3, vm0, $0xb8;
	[tilespmem:$0x10100] =	vst v63  }
0x98: {  	v3 =	vld [tilespmem:$0xC0];
	_ =	sdelay $0x4  }
0x99: {  	v60 =	vshll.u32 v3, $0x1  }
0x9a: {  	v3 =	vand.u32 $0x7, v3;
	v4 =	vand.u32 $0xFFFFFFF0, v60  }
0x9b: {  	v3 =	vor.u32 v3, v4  }
0x9c: {  	v4 =	vperm.xlane v3, v0;
	_ =	sdelay $0x1  }
0x9d: {  	v3 =	vperm.xlane v3, v2;
	v4 =	vadd.s32 v1, v4;
	_ =	sdelay $0x1  }
0x9e: {  	v3 =	vadd.s32 v1, v3;
	_ =	sdelay $0x2  }
0x9f: {  	[tilespmem:s23], [sflag:$0x1] =	stream.indirect_vreg.gather [hbm4b:s3+s2], $0x80, v4, vm0, $0xb8;
	[tilespmem:$0x10100] =	vst v63  }
0xa0: {  	_ = 	snop  }
0xa1: {  	[tilespmem:s24], [sflag:$0x1] =	stream.indirect_vreg.gather [hbm4b:s3+s2], $0x80, v3, vm0, $0xb8;
	[tilespmem:$0x10100] =	vst v63  }
0xa2: {  	v3 =	vld [tilespmem:$0xD0];
	_ =	sdelay $0x4  }
0xa3: {  	v61 =	vshll.u32 v3, $0x1  }
0xa4: {  	v3 =	vand.u32 $0x7, v3;
	v4 =	vand.u32 $0xFFFFFFF0, v61  }
0xa5: {  	v3 =	vor.u32 v3, v4  }
0xa6: {  	v4 =	vperm.xlane v3, v0;
	_ =	sdelay $0x1  }
0xa7: {  	v3 =	vperm.xlane v3, v2;
	v4 =	vadd.s32 v1, v4;
	_ =	sdelay $0x1  }
0xa8: {  	v3 =	vadd.s32 v1, v3;
	_ =	sdelay $0x2  }
0xa9: {  	[tilespmem:s25], [sflag:$0x1] =	stream.indirect_vreg.gather [hbm4b:s3+s2], $0x80, v4, vm0, $0xb8;
	[tilespmem:$0x10100] =	vst v63  }
0xaa: {  	_ = 	snop  }
0xab: {  	[tilespmem:s26], [sflag:$0x1] =	stream.indirect_vreg.gather [hbm4b:s3+s2], $0x80, v3, vm0, $0xb8;
	[tilespmem:$0x10100] =	vst v63  }
0xac: {  	v3 =	vld [tilespmem:$0xE0];
	_ =	sdelay $0x4  }
0xad: {  	v62 =	vshll.u32 v3, $0x1  }
0xae: {  	v3 =	vand.u32 $0x7, v3;
	v4 =	vand.u32 $0xFFFFFFF0, v62  }
0xaf: {  	v3 =	vor.u32 v3, v4  }
0xb0: {  	v4 =	vperm.xlane v3, v0;
	_ =	sdelay $0x1  }
0xb1: {  	v3 =	vperm.xlane v3, v2;
	v4 =	vadd.s32 v1, v4;
	_ =	sdelay $0x1  }
0xb2: {  	v3 =	vadd.s32 v1, v3;
	_ =	sdelay $0x2  }
0xb3: {  	[tilespmem:s28], [sflag:$0x1] =	stream.indirect_vreg.gather [hbm4b:s3+s2], $0x80, v4, vm0, $0xb8;
	[tilespmem:$0x10100] =	vst v63  }
0xb4: {  	_ = 	snop  }
0xb5: {  	[tilespmem:s29], [sflag:$0x1] =	stream.indirect_vreg.gather [hbm4b:s3+s2], $0x80, v3, vm0, $0xb8;
	[tilespmem:$0x10100] =	vst v63  }
0xb6: {  	v3 =	vld [tilespmem:$0xF0];
	_ =	sdelay $0x4  }
0xb7: {  	v63 =	vshll.u32 v3, $0x1  }
0xb8: {  	v3 =	vand.u32 $0x7, v3;
	v4 =	vand.u32 $0xFFFFFFF0, v63  }
0xb9: {  	v3 =	vor.u32 v3, v4  }
0xba: {  	v4 =	vperm.xlane v3, v0;
	_ =	sdelay $0x1  }
0xbb: {  	v3 =	vperm.xlane v3, v2;
	v4 =	vadd.s32 v1, v4;
	_ =	sdelay $0x1  }
0xbc: {  	v3 =	vadd.s32 v1, v3;
	_ =	sdelay $0x2  }
0xbd: {  	[tilespmem:s30], [sflag:$0x1] =	stream.indirect_vreg.gather [hbm4b:s3+s2], $0x80, v4, vm0, $0xb8;
	[tilespmem:$0x10100] =	vst v63  }
0xbe: {  	_ = 	snop  }
0xbf: {  	[tilespmem:s31], [sflag:$0x1] =	stream.indirect_vreg.gather [hbm4b:s3+s2], $0x80, v3, vm0, $0xb8;
	[tilespmem:$0x10100] =	vst v63  }
0xc0: {  	_ =	swait.ge [sflag:s1], $0x10000  }
0xc1: {  	p0 =	sne.s32 s4, $0x1;
	[sflag:s1] =	ssyncset.done $0x0  }
.Ltmp0:
0xc2: {  	s7 =	rddreg [dreg:$0x4];
	[sflag:s1] =	ssyncadd.s32 $0xFFFF0000;
	(pc) =	sbr.rel @p0 .LBB2_1-.Ltmp0, $4  }
0xc3: {  	[hbm4b:s7+s2] =	stream.linear.scatter [tilespmem:s6], [sflag:$0x2], $0x10000, $0x38;
	[tilespmem:$0x10100] =	vst v63  }
0xc4: {  	_ =	swait.ge [sflag:s5], $0x10000  }
0xc5: {  	[sflag:s5] =	ssyncset.done $0x0  }
0xc6: {  	s4 =	sadd.s32 $0xFFFFFFFF, s4;
	[sflag:s5] =	ssyncadd.s32 $0xFFFF0000  }
0xc7: {  	_ =	sfence.sel $0x180000  }
0xc8: {  	[bflag:$0x0] =	sbarrier.arrive $0xFFFF  }
0xc9: {  	_ =	strace $0x90000047  }
0xca: {  	s0 =	stileid.u32;
	[bflag:$0x2] =	sbarrier.arrive $0xFFFF  }
0xcb: {  	p0 =	sne.s32 s0, $0x0;
	s0 =	rddreg [dreg:$0x2]  }
0xcc: {  	s0 =	sadd.s32 @!p0 $0x100000, s0  }
0xcd: {  	[sflag:s0] =	ssyncadd.tile.s32 @!p0 $0x1;
	_ =	shalt  }
.Lfunc_end2:
_tile_overlayer_lowered:
.L_overlay_start_2:
0xce: {  	(tag) =	ssettag $0x2  }
0xcf: {  	s0 =	rddreg [dreg:$0x0];
	s2 =	stileid.u32  }
0xd0: {  	s1 =	rddreg [dreg:$0x1];
	p0 =	sne.s32 s2, $0x0  }
0xd1: {  	s3 =	rddreg [dreg:$0x2];
	[bflag:$0x3] =	sbarrier.arrive $0xFFFF;
	s2 =	simm.s32 @!p0 $0x1C02  }
0xd2: {  	[timem:s3], [sflag:s2] =	dma.local @!p0 [hbm:s0], s1  }
0xd3: {  	s0 =	simm.s32 @!p0 $0x2  }
0xd4: {  	_ =	swait.ge @!p0 [sflag:s0], s1  }
0xd5: {  	s1 =	ssub.s32 @!p0 $0x0, s1;
	[sflag:s0] =	ssyncset.done @!p0 $0x0  }
0xd6: {  	[sflag:s0] =	ssyncadd.s32 @!p0 s1  }
0xd7: {  	[bflag:$0x3] =	sbarrier.arrive $0xFFFF  }
0xd8: {  	_ =	shalt  }

// kernel: kernel.17.cloned.1.call-start
scs
__scs_entry_jumppad:
0x0: {  	(pc) =	sbr.rel $0x88, $3  }
0x1: {  	(tag) =	ssettag $0x0;
	lr =	simm.s32 $0x1  }
0x2: {  	[smem:$0x3F90] =	sst lr;
	_ =	strace $0xD0000000  }
0x3: {  	_ = 	snop  }
0x4: {  	_ = 	snop  }
0x5: {  	_ = 	snop  }
0x6: {  	_ = 	snop  }
0x7: {  	_ = 	snop  }
__scs_overlays_trampoline_lowered:
0x8: {  	[smem:$0x3F9F] =	sst s0  }
0x9: {  	[smem:$0x3FA0] =	sst s1  }
0xa: {  	[smem:$0x3FA1] =	sst s2  }
0xb: {  	[smem:$0x3FA2] =	sst s3  }
0xc: {  	[smem:$0x3FA3] =	sst s4  }
0xd: {  	[smem:$0x3FA4] =	sst s5  }
0xe: {  	[smem:$0x3FA5] =	sst s6  }
0xf: {  	[smem:$0x3FA6] =	sst s7  }
0x10: {  	[smem:$0x3FA7] =	sst s8  }
0x11: {  	[smem:$0x3FA8] =	sst s9;
	s0 =	simm.s32 @!p0 $0x0  }
0x12: {  	s1 =	sld [smem:$0x3F8E];
	s0 =	simm.s32 @p0 $0x1  }
0x13: {  	[smem:$0x3FA9] =	sst s0;
	s0 =	simm.s32 @!p1 $0x0  }
0x14: {  	s2 =	sld [smem:$0x3F8D];
	s0 =	simm.s32 @p1 $0x1  }
0x15: {  	[smem:$0x3FAA] =	sst s0;
	s0 =	simm.s32 @!p2 $0x0  }
0x16: {  	s3 =	sld [smem:$0x3FDB];
	s0 =	simm.s32 @p2 $0x1  }
0x17: {  	s4 =	simm.s32 $0x1BF5;
	[smem:$0x3FAC] =	sst s0  }
0x18: {  	s0 =	sld [smem:$0x3F8F];
	_ =	swait.ge [sflag:s4], $0x0  }
0x19: {  	s7 =	sld [smem:$0x3F90]  }
0x1a: {  	s8 =	sadd.s32 $0xFFFFE003, lr  }
0x1b: {  	s9 =	sadd.s32 $0xFFFFFEF7, lr;
	s5 =	simm.s32 $0xFFFFFFFF;
	p2 =	slt.u32 s8, $0xFFFFF086  }
0x1c: {  	p1 =	slt.u32 s9, $0xF7A;
	s5 =	simm.s32 @!p2 $0x0  }
0x1d: {  	s5 =	simm.s32 @p1 $0x1;
	p0 =	seq.s32 s7, s2  }
0x1e: {  	s7 =	smul.u32 @!p0 $0xF7A, s2;
	p2 =	seq.s32 @!p0 s5, $0x0  }
0x1f: {  	s9 =	smul.u32 $0xF7A, s1;
	s8 =	simm.s32 @!p0 $0x1BF5;
	p2 =	por !p2, p0  }
0x20: {  	[sflag:s8] =	ssyncset.s32 @!p0 $0xFFFFF086;
	s6 =	sadd.s32 @!p0 s3, s7;
	s7 =	simm.s32 @!p0 $0x108  }
0x21: {  	s3 =	sadd.s32 s3, s9;
	s6 =	sadd.s32 @!p0 $0x88, s6;
	s7 =	simm.s32 @p2 $0x1082  }
0x22: {  	[simem:s7], [sflag:s8] =	dma.local @!p0 [hbm:s6], $0xF7A  }
0x23: {  	s9 =	sor.u32 $0xD0000000, s2;
	s6 =	simm.s32 $0x108;
	_ =	swait.ge @!p0 [sflag:s8], $0x0  }
0x24: {  	s3 =	sadd.s32 $0x88, s3;
	s6 =	simm.s32 @!p1 $0x1082;
	[sflag:s4] =	ssyncset.s32 $0xFFFFF086  }
0x25: {  	[simem:s6], [sflag:s4] =	dma.local [hbm:s3], $0xF7A  }
0x26: {  	[smem:$0x3F90] =	sst s1;
	(tag) =	ssettag s2;
	_ =	strace s9  }
0x27: {  	s1 =	sld [smem:$0x3FA0]  }
0x28: {  	s2 =	sld [smem:$0x3FA1]  }
0x29: {  	s4 =	sld [smem:$0x3FA3]  }
0x2a: {  	p0 =	seq.s32 s5, $0x0;
	s5 =	sld [smem:$0x3FA4]  }
0x2b: {  	s6 =	sld [smem:$0x3FA5]  }
0x2c: {  	s7 =	sld [smem:$0x3FA6]  }
0x2d: {  	s3 =	simm.s32 $0x108;
	s8 =	sld [smem:$0x3FA7]  }
0x2e: {  	s3 =	simm.s32 @!p0 $0x1082;
	s9 =	sld [smem:$0x3FA8]  }
0x2f: {  	lr =	sadd.s32 s0, s3;
	s0 =	sld [smem:$0x3F9F]  }
0x30: {  	s3 =	sld [smem:$0x3FA2]  }
0x31: {  	[smem:$0x3FAB] =	sst s10  }
0x32: {  	s10 =	sld [smem:$0x3FA9];
	_ =	sdelay $0x3  }
0x33: {  	p0 =	seq.s32 s10, $0x1;
	s10 =	sld [smem:$0x3FAB];
	_ =	sdelay $0x3  }
0x34: {  	[smem:$0x3FAB] =	sst s10  }
0x35: {  	s10 =	sld [smem:$0x3FAA];
	_ =	sdelay $0x3  }
0x36: {  	p1 =	seq.s32 s10, $0x1;
	s10 =	sld [smem:$0x3FAB];
	_ =	sdelay $0x3  }
0x37: {  	[smem:$0x3FAB] =	sst s10  }
0x38: {  	s10 =	sld [smem:$0x3FAC]  }
0x39: {  	_ = 	snop;
	(pc) =	sbr.ind lr, $3  }
0x3a: {  	_ = 	snop  }
0x3b: {  	_ = 	snop  }
0x3c: {  	p2 =	seq.s32 s10, $0x1;
	s10 =	sld [smem:$0x3FAB]  }
0x3d: {  	_ =	shalt  }
0x3e: {  	_ =	shalt  }
0x3f: {  	_ =	shalt  }
0x40: {  	_ =	shalt  }
0x41: {  	_ =	shalt  }
0x42: {  	_ =	shalt  }
0x43: {  	_ =	shalt  }
0x44: {  	_ =	shalt  }
0x45: {  	_ =	shalt  }
0x46: {  	_ =	shalt  }
0x47: {  	_ =	shalt  }
0x48: {  	_ =	shalt  }
0x49: {  	_ =	shalt  }
0x4a: {  	_ =	shalt  }
0x4b: {  	_ =	shalt  }
0x4c: {  	_ =	shalt  }
0x4d: {  	_ =	shalt  }
0x4e: {  	_ =	shalt  }
0x4f: {  	_ =	shalt  }
0x50: {  	_ =	shalt  }
0x51: {  	_ =	shalt  }
0x52: {  	_ =	shalt  }
0x53: {  	_ =	shalt  }
0x54: {  	_ =	shalt  }
0x55: {  	_ =	shalt  }
0x56: {  	_ =	shalt  }
0x57: {  	_ =	shalt  }
0x58: {  	_ =	shalt  }
0x59: {  	_ =	shalt  }
0x5a: {  	_ =	shalt  }
0x5b: {  	_ =	shalt  }
0x5c: {  	_ =	shalt  }
0x5d: {  	_ =	shalt  }
0x5e: {  	_ =	shalt  }
0x5f: {  	_ =	shalt  }
0x60: {  	_ =	shalt  }
0x61: {  	_ =	shalt  }
0x62: {  	_ =	shalt  }
0x63: {  	_ =	shalt  }
0x64: {  	_ =	shalt  }
0x65: {  	_ =	shalt  }
0x66: {  	_ =	shalt  }
0x67: {  	_ =	shalt  }
0x68: {  	_ =	shalt  }
0x69: {  	_ =	shalt  }
0x6a: {  	_ =	shalt  }
0x6b: {  	_ =	shalt  }
0x6c: {  	_ =	shalt  }
0x6d: {  	_ =	shalt  }
0x6e: {  	_ =	shalt  }
0x6f: {  	_ =	shalt  }
0x70: {  	_ =	shalt  }
0x71: {  	_ =	shalt  }
0x72: {  	_ =	shalt  }
0x73: {  	_ =	shalt  }
0x74: {  	_ =	shalt  }
0x75: {  	_ =	shalt  }
0x76: {  	_ =	shalt  }
0x77: {  	_ =	shalt  }
0x78: {  	_ =	shalt  }
0x79: {  	_ =	shalt  }
0x7a: {  	_ =	shalt  }
0x7b: {  	_ =	shalt  }
0x7c: {  	_ =	shalt  }
0x7d: {  	_ =	shalt  }
0x7e: {  	_ =	shalt  }
0x7f: {  	_ =	shalt  }
0x80: {  	_ =	shalt  }
0x81: {  	_ =	shalt  }
0x82: {  	_ =	shalt  }
0x83: {  	_ =	shalt  }
0x84: {  	_ =	shalt  }
0x85: {  	_ =	shalt  }
0x86: {  	_ =	shalt  }
0x87: {  	_ =	shalt  }
.Lfunc_end0:
.L_simem_size_0:
called_computation.1_lowered:
.L_overlay_start_0:
0x88: {  	s2 =	sld [smem:$0x3FD9]  }
0x89: {  	s3 =	sld [smem:$0x3FFE];
	_ =	sdelay $0x1  }
0x8a: {  	s1 =	srdreg.scid  }
0x8b: {  	s0 =	sand.u32 $0x1, s1  }
0x8c: {  	s14 =	sshll.u32 s0, $0xA;
	s2 =	sadd.s32 s3, s2  }
0x8d: {  	s2 =	sadd.s32 s2, s14  }
0x8e: {  	[smem:$0x3FB7] =	sst s2  }
0x8f: {  	_ = 	snop  }
0x90: {  	s2 =	sld [smem:$0x3FD0];
	_ =	sdelay $0x2  }
0x91: {  	s15 =	simm.s32 $0xA;
	s4 =	simm.s32 $0x10  }
0x92: {  	[smem:s4], [sflag:s15] =	dma.local [hbm:s2], $0x1  }
0x93: {  	_ =	swait.eq [sflag:s15], $0x1  }
0x94: {  	[sflag:s15] =	ssyncset.done $0x0  }
0x95: {  	s16 =	sld [smem:$0x10];
	[sflag:s15] =	ssyncadd.s32 $0xFFFFFFFF  }
0x96: {  	s17 =	sld [smem:$0x12];
	(tm) =	ssettm $0x1  }
0x97: {  	s18 =	sld [smem:$0x3FFB];
	_ =	sdelay $0x3  }
0x98: {  	_ =	strace s18  }
0x99: {  	s4 =	sld [smem:$0x3FFC];
	_ =	sdelay $0x3  }
0x9a: {  	_ =	strace s4  }
0x9b: {  	s4 =	sld [smem:$0x3FFD];
	_ =	sdelay $0x3  }
0x9c: {  	_ =	strace s4  }
0x9d: {  	_ =	strace $0x8FFFFFFF  }
0x9e: {  	s19 =	sld [smem:$0x3FDB];
	_ =	sdelay $0x1  }
0x9f: {  	s5 =	simm.s32 $_scs_section_size  }
0xa0: {  	s6 =	simm.s32 $_size__tile_overlayer_lowered;
	s7 =	simm.s32 $_tile_overlayer_lowered  }
0xa1: {  	s22 =	simm.s32 $0x1BFF;
	s21 =	sshll.u32 s7, $0x1;
	s4 =	sadd.s32 s5, s19  }
0xa2: {  	s8 =	simm.s32 $0x0;
	s20 =	sshll.u32 s6, $0x1;
	s6 =	sadd.s32 s21, s4  }
0xa3: {  	[timem:s8], [sflag:s22] =	dma.local [hbm:s6], s20  }
0xa4: {  	_ =	swait.ge [sflag:s22], s20  }
0xa5: {  	s5 =	ssub.s32 $0x0, s20;
	[sflag:s22] =	ssyncset.done $0x0  }
0xa6: {  	[sflag:s22] =	ssyncadd.s32 s5;
	_ =	sdelay $0x1  }
0xa7: {  	s23 =	simm.s32 $0x1B8B  }
0xa8: {  	_ =	swait.ge [sflag:s23], $0x1  }
0xa9: {  	[sflag:s23] =	ssyncset.done $0x0  }
0xaa: {  	s25 =	simm.s32 $0x1B8E;
	s24 =	sld [smem:$0x3FFE];
	[sflag:s23] =	ssyncadd.s32 $0xFFFFFFFF  }
0xab: {  	s26 =	simm.s32 $execute0_lowered;
	[smem:$0x3FD2] =	sst s25  }
0xac: {  	s6 =	sshll.u32 s26, $0x1;
	_ =	strace $0x80000049;
	[dreg:$0x1] =	wrdreg $0xFFFFFFFF  }
0xad: {  	s28 =	simm.s32 $_size_execute0_lowered;
	s4 =	sadd.s32 s4, s6;
	[dreg:$0x0] =	wrdreg $0x0  }
0xae: {  	s6 =	sshll.u32 s28, $0x1;
	[dreg:$0x2] =	wrdreg s4  }
0xaf: {  	[dreg:$0x3] =	wrdreg s6  }
0xb0: {  	[dreg:$0x4] =	wrdreg $0xC0  }
0xb1: {  	_ =	task [dreg:s8], $0x5FFFF  }
0xb2: {  	[dreg:$0x1] =	wrdreg $0xFFFFFFFF  }
0xb3: {  	[dreg:$0x0] =	wrdreg $0x60  }
0xb4: {  	[dreg:$0x2] =	wrdreg s17  }
0xb5: {  	[dreg:$0x3] =	wrdreg s16  }
0xb6: {  	[dreg:$0x4] =	wrdreg s24  }
0xb7: {  	[dreg:$0x5] =	wrdreg $0x9  }
0xb8: {  	_ =	task.clear_ibuf [dreg:s8], $0x6FFFF;
	_ =	strace $0x90000049  }
0xb9: {  	s29 =	simm.s32 $0x9;
	_ =	strace $0x8000004B  }
0xba: {  	_ =	swait.ge [sflag:s29], $0x1  }
0xbb: {  	[sflag:s29] =	ssyncadd.s32 $0xFFFFFFFF  }
0xbc: {  	_ =	strace $0x9000004B  }
0xbd: {  	_ =	sfence  }
0xbe: {  	s30 =	sld [smem:$0x0];
	_ =	sdelay $0x2  }
0xbf: {  	s31 =	sshll.u32 s1, $0xD;
	s1 =	sshrl.u32 s1, $0x2  }
0xc0: {  	s3 =	sand.u32 $0x4000, s31;
	s1 =	sadd.s32 s1, s30  }
0xc1: {  	s0 =	sor.u32 s3, s0;
	s1 =	sshll.u32 s1, $0x11  }
0xc2: {  	s0 =	sor.u32 s1, s0  }
0xc3: {  	s0 =	sadd.s32 $0x8F2B, s0  }
0xc4: {  	[sflag:s0] =	ssyncadd.remote.s32 $0x1  }
0xc5: {  	_ =	sfence.sel $0xFFFF  }
0xc6: {  	[dreg:$0x0] =	wrdreg $0xFFFFFFFF;
	(pc) =	sbr.abs _section_cstart, $3  }
0xc7: {  	[dreg:$0x1] =	wrdreg $0xFFFFFFFF  }
0xc8: {  	_ =	task.clear_ibuf [dreg:s8], $0x2FFFF;
	_ =	strace $0x9FFFFFFF  }
0xc9: {  	(tm) =	ssettm $0x7FFFFFFF  }
tec
execute0_lowered:
.L_overlay_start_1:
0x0: {  	(tag) =	ssettag $0x1  }
0x1: {  	s1 =	rddreg [dreg:$0x0]  }
0x2: {  	s2 =	srdreg.scid;
	s4 =	rddreg [dreg:$0x1]  }
0x3: {  	s0 =	stileid.u32;
	s5 =	rddreg [dreg:$0x2];
	s3 =	simm.s32 $0x0  }
0x4: {  	s19 =	simm.s32 $0x900;
	s20 =	simm.s32 $0x1100;
	s21 =	simm.s32 $0x1900  }
0x5: {  	s23 =	simm.s32 $0x2100;
	s24 =	simm.s32 $0x2900;
	s25 =	simm.s32 $0x3100  }
0x6: {  	s26 =	simm.s32 $0x3900;
	s8 =	simm.s32 $0x4900;
	s9 =	simm.s32 $0x5100  }
0x7: {  	s10 =	simm.s32 $0x5900;
	s11 =	simm.s32 $0x6100;
	s12 =	simm.s32 $0x6900  }
0x8: {  	s13 =	simm.s32 $0x7100;
	s14 =	simm.s32 $0x7900;
	[smem:$0x7FF] =	sst s3  }
0x9: {  	s15 =	simm.s32 $0x8100;
	_ =	strace $0x8000004A;
	[dreg:$0x6] =	wrdreg s19  }
0xa: {  	s16 =	simm.s32 $0x8900;
	s17 =	simm.s32 $0x9100;
	[dreg:$0x7] =	wrdreg s20  }
0xb: {  	s28 =	simm.s32 $0xE100;
	s29 =	simm.s32 $0xE900;
	[dreg:$0x8] =	wrdreg s21  }
0xc: {  	s30 =	simm.s32 $0xF100;
	s31 =	simm.s32 $0xF900;
	[dreg:$0x9] =	wrdreg s23  }
0xd: {  	s2 =	sand.u32 $0x1, s2;
	s6 =	sshll.u32 s0, $0x9;
	[dreg:$0xa] =	wrdreg s24  }
0xe: {  	s7 =	sshll.u32 s2, $0x8;
	s2 =	ssub.s32 $0x2, s2;
	[dreg:$0xb] =	wrdreg s25  }
0xf: {  	[dreg:$0xc] =	wrdreg s26;
	s19 =	simm.s32 $0xA100;
	s20 =	simm.s32 $0xA900  }
0x10: {  	s21 =	simm.s32 $0xB100;
	s23 =	simm.s32 $0xC100;
	s24 =	simm.s32 $0xC900  }
0x11: {  	s25 =	simm.s32 $0xD100;
	s26 =	simm.s32 $0xD900;
	s6 =	sor.u32 s7, s6  }
0x12: {  	s22 =	sshrl.u32 s2, $0x1;
	s7 =	sshll.u32 s6, $0x5;
	s6 =	sshrl.u32 s6, $0x3  }
0x13: {  	s2 =	ssub.s32 s2, s22;
	s22 =	simm.s32 $0xB900;
	s4 =	sadd.s32 s4, s6  }
0x14: {  	v2 =	vlaneseq.u32;
	s5 =	sadd.s32 s7, s5;
	s6 =	simm.s32 $0x100;
	[dreg:$0x4] =	wrdreg s4  }
0x15: {  	vm0 =	vmmov $0xffff;
	v1 =	vshrl.u32 v2, $0x3;
	s18 =	sadd.s32 $0xF8400, s5;
	s4 =	smax.u32 s2, $0x1;
	s5 =	simm.s32 $0x2  }
0x16: {  	v0 =	vand.u32 $0x7, v2;
	v2 =	vor.u32 $0x8, v2;
	v1 =	vmul.u32 $0x8, v1;
	s2 =	simm.s32 $0x1;
	[dreg:$0x5] =	wrdreg s18;
	s18 =	simm.s32 $0x9900  }
.LBB2_1:
0x17: {  	s0 =	rddreg [dreg:$0x4]  }
0x18: {  	[tilespmem:s3], [sflag:$0x2] =	stream.linear.gather [hbm4b:s0+s3], $0x100, $0x38;
	[tilespmem:$0x10100] =	vst v63  }
0x19: {  	_ =	swait.ge [sflag:s5], $0x100  }
0x1a: {  	[sflag:s5] =	ssyncset.done $0x0  }
0x1b: {  	[sflag:s5] =	ssyncadd.s32 $0xFFFFFF00  }
0x1c: {  	v3 =	vld [tilespmem:$0x0];
	_ =	sdelay $0x4  }
0x1d: {  	v4 =	vshll.u32 v3, $0x1  }
0x1e: {  	v3 =	vand.u32 $0x7, v3;
	v4 =	vand.u32 $0xFFFFFFF0, v4  }
0x1f: {  	v3 =	vor.u32 v3, v4  }
0x20: {  	v4 =	vperm.xlane v3, v0;
	_ =	sdelay $0x1  }
0x21: {  	v3 =	vperm.xlane v3, v2;
	v4 =	vadd.s32 v1, v4;
	_ =	sdelay $0x1  }
0x22: {  	v3 =	vadd.s32 v1, v3;
	_ =	sdelay $0x2  }
0x23: {  	[tilespmem:s6], [sflag:$0x1] =	stream.indirect_vreg.gather [hbm4b:s1+s3], $0x80, v4, vm0, $0xb8;
	[tilespmem:$0x10100] =	vst v63  }
0x24: {  	s7 =	rddreg [dreg:$0x6]  }
0x25: {  	[tilespmem:s7], [sflag:$0x1] =	stream.indirect_vreg.gather [hbm4b:s1+s3], $0x80, v3, vm0, $0xb8;
	[tilespmem:$0x10100] =	vst v63  }
0x26: {  	v3 =	vld [tilespmem:$0x10];
	_ =	sdelay $0x4  }
0x27: {  	v49 =	vshll.u32 v3, $0x1  }
0x28: {  	v3 =	vand.u32 $0x7, v3;
	v4 =	vand.u32 $0xFFFFFFF0, v49  }
0x29: {  	v3 =	vor.u32 v3, v4  }
0x2a: {  	v4 =	vperm.xlane v3, v0;
	_ =	sdelay $0x1  }
0x2b: {  	v3 =	vperm.xlane v3, v2;
	v4 =	vadd.s32 v1, v4;
	_ =	sdelay $0x1  }
0x2c: {  	v3 =	vadd.s32 v1, v3;
	_ =	sdelay $0x1  }
0x2d: {  	s0 =	rddreg [dreg:$0x7]  }
0x2e: {  	[tilespmem:s0], [sflag:$0x1] =	stream.indirect_vreg.gather [hbm4b:s1+s3], $0x80, v4, vm0, $0xb8;
	[tilespmem:$0x10100] =	vst v63  }
0x2f: {  	s7 =	rddreg [dreg:$0x8]  }
0x30: {  	[tilespmem:s7], [sflag:$0x1] =	stream.indirect_vreg.gather [hbm4b:s1+s3], $0x80, v3, vm0, $0xb8;
	[tilespmem:$0x10100] =	vst v63  }
0x31: {  	v3 =	vld [tilespmem:$0x20];
	_ =	sdelay $0x4  }
0x32: {  	v50 =	vshll.u32 v3, $0x1  }
0x33: {  	v3 =	vand.u32 $0x7, v3;
	v4 =	vand.u32 $0xFFFFFFF0, v50  }
0x34: {  	v3 =	vor.u32 v3, v4  }
0x35: {  	v4 =	vperm.xlane v3, v0;
	_ =	sdelay $0x1  }
0x36: {  	v3 =	vperm.xlane v3, v2;
	v4 =	vadd.s32 v1, v4;
	_ =	sdelay $0x1  }
0x37: {  	v3 =	vadd.s32 v1, v3;
	_ =	sdelay $0x1  }
0x38: {  	s0 =	rddreg [dreg:$0x9]  }
0x39: {  	[tilespmem:s0], [sflag:$0x1] =	stream.indirect_vreg.gather [hbm4b:s1+s3], $0x80, v4, vm0, $0xb8;
	[tilespmem:$0x10100] =	vst v63  }
0x3a: {  	s7 =	rddreg [dreg:$0xa]  }
0x3b: {  	[tilespmem:s7], [sflag:$0x1] =	stream.indirect_vreg.gather [hbm4b:s1+s3], $0x80, v3, vm0, $0xb8;
	[tilespmem:$0x10100] =	vst v63  }
0x3c: {  	v3 =	vld [tilespmem:$0x30];
	_ =	sdelay $0x4  }
0x3d: {  	v51 =	vshll.u32 v3, $0x1  }
0x3e: {  	v3 =	vand.u32 $0x7, v3;
	v4 =	vand.u32 $0xFFFFFFF0, v51  }
0x3f: {  	v3 =	vor.u32 v3, v4  }
0x40: {  	v4 =	vperm.xlane v3, v0;
	_ =	sdelay $0x1  }
0x41: {  	v3 =	vperm.xlane v3, v2;
	v4 =	vadd.s32 v1, v4;
	_ =	sdelay $0x1  }
0x42: {  	v3 =	vadd.s32 v1, v3;
	_ =	sdelay $0x1  }
0x43: {  	s0 =	rddreg [dreg:$0xb]  }
0x44: {  	[tilespmem:s0], [sflag:$0x1] =	stream.indirect_vreg.gather [hbm4b:s1+s3], $0x80, v4, vm0, $0xb8;
	[tilespmem:$0x10100] =	vst v63  }
0x45: {  	s7 =	rddreg [dreg:$0xc]  }
0x46: {  	[tilespmem:s7], [sflag:$0x1] =	stream.indirect_vreg.gather [hbm4b:s1+s3], $0x80, v3, vm0, $0xb8;
	[tilespmem:$0x10100] =	vst v63  }
0x47: {  	v3 =	vld [tilespmem:$0x40];
	_ =	sdelay $0x4  }
0x48: {  	v52 =	vshll.u32 v3, $0x1  }
0x49: {  	v3 =	vand.u32 $0x7, v3;
	v4 =	vand.u32 $0xFFFFFFF0, v52  }
0x4a: {  	v3 =	vor.u32 v3, v4  }
0x4b: {  	v4 =	vperm.xlane v3, v0;
	_ =	sdelay $0x1  }
0x4c: {  	v3 =	vperm.xlane v3, v2;
	v4 =	vadd.s32 v1, v4;
	_ =	sdelay $0x1  }
0x4d: {  	v3 =	vadd.s32 v1, v3;
	_ =	sdelay $0x1  }
0x4e: {  	s7 =	simm.s32 $0x4100  }
0x4f: {  	[tilespmem:s7], [sflag:$0x1] =	stream.indirect_vreg.gather [hbm4b:s1+s3], $0x80, v4, vm0, $0xb8;
	[tilespmem:$0x10100] =	vst v63  }
0x50: {  	_ = 	snop  }
0x51: {  	[tilespmem:s8], [sflag:$0x1] =	stream.indirect_vreg.gather [hbm4b:s1+s3], $0x80, v3, vm0, $0xb8;
	[tilespmem:$0x10100] =	vst v63  }
0x52: {  	v3 =	vld [tilespmem:$0x50];
	_ =	sdelay $0x4  }
0x53: {  	v53 =	vshll.u32 v3, $0x1  }
0x54: {  	v3 =	vand.u32 $0x7, v3;
	v4 =	vand.u32 $0xFFFFFFF0, v53  }
0x55: {  	v3 =	vor.u32 v3, v4  }
0x56: {  	v4 =	vperm.xlane v3, v0;
	_ =	sdelay $0x1  }
0x57: {  	v3 =	vperm.xlane v3, v2;
	v4 =	vadd.s32 v1, v4;
	_ =	sdelay $0x1  }
0x58: {  	v3 =	vadd.s32 v1, v3;
	_ =	sdelay $0x2  }
0x59: {  	[tilespmem:s9], [sflag:$0x1] =	stream.indirect_vreg.gather [hbm4b:s1+s3], $0x80, v4, vm0, $0xb8;
	[tilespmem:$0x10100] =	vst v63  }
0x5a: {  	_ = 	snop  }
0x5b: {  	[tilespmem:s10], [sflag:$0x1] =	stream.indirect_vreg.gather [hbm4b:s1+s3], $0x80, v3, vm0, $0xb8;
	[tilespmem:$0x10100] =	vst v63  }
0x5c: {  	v3 =	vld [tilespmem:$0x60];
	_ =	sdelay $0x4  }
0x5d: {  	v54 =	vshll.u32 v3, $0x1  }
0x5e: {  	v3 =	vand.u32 $0x7, v3;
	v4 =	vand.u32 $0xFFFFFFF0, v54  }
0x5f: {  	v3 =	vor.u32 v3, v4  }
0x60: {  	v4 =	vperm.xlane v3, v0;
	_ =	sdelay $0x1  }
0x61: {  	v3 =	vperm.xlane v3, v2;
	v4 =	vadd.s32 v1, v4;
	_ =	sdelay $0x1  }
0x62: {  	v3 =	vadd.s32 v1, v3;
	_ =	sdelay $0x2  }
0x63: {  	[tilespmem:s11], [sflag:$0x1] =	stream.indirect_vreg.gather [hbm4b:s1+s3], $0x80, v4, vm0, $0xb8;
	[tilespmem:$0x10100] =	vst v63  }
0x64: {  	_ = 	snop  }
0x65: {  	[tilespmem:s12], [sflag:$0x1] =	stream.indirect_vreg.gather [hbm4b:s1+s3], $0x80, v3, vm0, $0xb8;
	[tilespmem:$0x10100] =	vst v63  }
0x66: {  	v3 =	vld [tilespmem:$0x70];
	_ =	sdelay $0x4  }
0x67: {  	v55 =	vshll.u32 v3, $0x1  }
0x68: {  	v3 =	vand.u32 $0x7, v3;
	v4 =	vand.u32 $0xFFFFFFF0, v55  }
0x69: {  	v3 =	vor.u32 v3, v4  }
0x6a: {  	v4 =	vperm.xlane v3, v0;
	_ =	sdelay $0x1  }
0x6b: {  	v3 =	vperm.xlane v3, v2;
	v4 =	vadd.s32 v1, v4;
	_ =	sdelay $0x1  }
0x6c: {  	v3 =	vadd.s32 v1, v3;
	_ =	sdelay $0x2  }
0x6d: {  	[tilespmem:s13], [sflag:$0x1] =	stream.indirect_vreg.gather [hbm4b:s1+s3], $0x80, v4, vm0, $0xb8;
	[tilespmem:$0x10100] =	vst v63  }
0x6e: {  	_ = 	snop  }
0x6f: {  	[tilespmem:s14], [sflag:$0x1] =	stream.indirect_vreg.gather [hbm4b:s1+s3], $0x80, v3, vm0, $0xb8;
	[tilespmem:$0x10100] =	vst v63  }
0x70: {  	v3 =	vld [tilespmem:$0x80];
	_ =	sdelay $0x4  }
0x71: {  	v56 =	vshll.u32 v3, $0x1  }
0x72: {  	v3 =	vand.u32 $0x7, v3;
	v4 =	vand.u32 $0xFFFFFFF0, v56  }
0x73: {  	v3 =	vor.u32 v3, v4  }
0x74: {  	v4 =	vperm.xlane v3, v0;
	_ =	sdelay $0x1  }
0x75: {  	v3 =	vperm.xlane v3, v2;
	v4 =	vadd.s32 v1, v4;
	_ =	sdelay $0x1  }
0x76: {  	v3 =	vadd.s32 v1, v3;
	_ =	sdelay $0x2  }
0x77: {  	[tilespmem:s15], [sflag:$0x1] =	stream.indirect_vreg.gather [hbm4b:s1+s3], $0x80, v4, vm0, $0xb8;
	[tilespmem:$0x10100] =	vst v63  }
0x78: {  	_ = 	snop  }
0x79: {  	[tilespmem:s16], [sflag:$0x1] =	stream.indirect_vreg.gather [hbm4b:s1+s3], $0x80, v3, vm0, $0xb8;
	[tilespmem:$0x10100] =	vst v63  }
0x7a: {  	v3 =	vld [tilespmem:$0x90];
	_ =	sdelay $0x4  }
0x7b: {  	v57 =	vshll.u32 v3, $0x1  }
0x7c: {  	v3 =	vand.u32 $0x7, v3;
	v4 =	vand.u32 $0xFFFFFFF0, v57  }
0x7d: {  	v3 =	vor.u32 v3, v4  }
0x7e: {  	v4 =	vperm.xlane v3, v0;
	_ =	sdelay $0x1  }
0x7f: {  	v3 =	vperm.xlane v3, v2;
	v4 =	vadd.s32 v1, v4;
	_ =	sdelay $0x1  }
0x80: {  	v3 =	vadd.s32 v1, v3;
	_ =	sdelay $0x2  }
0x81: {  	[tilespmem:s17], [sflag:$0x1] =	stream.indirect_vreg.gather [hbm4b:s1+s3], $0x80, v4, vm0, $0xb8;
	[tilespmem:$0x10100] =	vst v63  }
0x82: {  	_ = 	snop  }
0x83: {  	[tilespmem:s18], [sflag:$0x1] =	stream.indirect_vreg.gather [hbm4b:s1+s3], $0x80, v3, vm0, $0xb8;
	[tilespmem:$0x10100] =	vst v63  }
0x84: {  	v3 =	vld [tilespmem:$0xA0];
	_ =	sdelay $0x4  }
0x85: {  	v58 =	vshll.u32 v3, $0x1  }
0x86: {  	v3 =	vand.u32 $0x7, v3;
	v4 =	vand.u32 $0xFFFFFFF0, v58  }
0x87: {  	v3 =	vor.u32 v3, v4  }
0x88: {  	v4 =	vperm.xlane v3, v0;
	_ =	sdelay $0x1  }
0x89: {  	v3 =	vperm.xlane v3, v2;
	v4 =	vadd.s32 v1, v4;
	_ =	sdelay $0x1  }
0x8a: {  	v3 =	vadd.s32 v1, v3;
	_ =	sdelay $0x2  }
0x8b: {  	[tilespmem:s19], [sflag:$0x1] =	stream.indirect_vreg.gather [hbm4b:s1+s3], $0x80, v4, vm0, $0xb8;
	[tilespmem:$0x10100] =	vst v63  }
0x8c: {  	_ = 	snop  }
0x8d: {  	[tilespmem:s20], [sflag:$0x1] =	stream.indirect_vreg.gather [hbm4b:s1+s3], $0x80, v3, vm0, $0xb8;
	[tilespmem:$0x10100] =	vst v63  }
0x8e: {  	v3 =	vld [tilespmem:$0xB0];
	_ =	sdelay $0x4  }
0x8f: {  	v59 =	vshll.u32 v3, $0x1  }
0x90: {  	v3 =	vand.u32 $0x7, v3;
	v4 =	vand.u32 $0xFFFFFFF0, v59  }
0x91: {  	v3 =	vor.u32 v3, v4  }
0x92: {  	v4 =	vperm.xlane v3, v0;
	_ =	sdelay $0x1  }
0x93: {  	v3 =	vperm.xlane v3, v2;
	v4 =	vadd.s32 v1, v4;
	_ =	sdelay $0x1  }
0x94: {  	v3 =	vadd.s32 v1, v3;
	_ =	sdelay $0x2  }
0x95: {  	[tilespmem:s21], [sflag:$0x1] =	stream.indirect_vreg.gather [hbm4b:s1+s3], $0x80, v4, vm0, $0xb8;
	[tilespmem:$0x10100] =	vst v63  }
0x96: {  	_ = 	snop  }
0x97: {  	[tilespmem:s22], [sflag:$0x1] =	stream.indirect_vreg.gather [hbm4b:s1+s3], $0x80, v3, vm0, $0xb8;
	[tilespmem:$0x10100] =	vst v63  }
0x98: {  	v3 =	vld [tilespmem:$0xC0];
	_ =	sdelay $0x4  }
0x99: {  	v60 =	vshll.u32 v3, $0x1  }
0x9a: {  	v3 =	vand.u32 $0x7, v3;
	v4 =	vand.u32 $0xFFFFFFF0, v60  }
0x9b: {  	v3 =	vor.u32 v3, v4  }
0x9c: {  	v4 =	vperm.xlane v3, v0;
	_ =	sdelay $0x1  }
0x9d: {  	v3 =	vperm.xlane v3, v2;
	v4 =	vadd.s32 v1, v4;
	_ =	sdelay $0x1  }
0x9e: {  	v3 =	vadd.s32 v1, v3;
	_ =	sdelay $0x2  }
0x9f: {  	[tilespmem:s23], [sflag:$0x1] =	stream.indirect_vreg.gather [hbm4b:s1+s3], $0x80, v4, vm0, $0xb8;
	[tilespmem:$0x10100] =	vst v63  }
0xa0: {  	_ = 	snop  }
0xa1: {  	[tilespmem:s24], [sflag:$0x1] =	stream.indirect_vreg.gather [hbm4b:s1+s3], $0x80, v3, vm0, $0xb8;
	[tilespmem:$0x10100] =	vst v63  }
0xa2: {  	v3 =	vld [tilespmem:$0xD0];
	_ =	sdelay $0x4  }
0xa3: {  	v61 =	vshll.u32 v3, $0x1  }
0xa4: {  	v3 =	vand.u32 $0x7, v3;
	v4 =	vand.u32 $0xFFFFFFF0, v61  }
0xa5: {  	v3 =	vor.u32 v3, v4  }
0xa6: {  	v4 =	vperm.xlane v3, v0;
	_ =	sdelay $0x1  }
0xa7: {  	v3 =	vperm.xlane v3, v2;
	v4 =	vadd.s32 v1, v4;
	_ =	sdelay $0x1  }
0xa8: {  	v3 =	vadd.s32 v1, v3;
	_ =	sdelay $0x2  }
0xa9: {  	[tilespmem:s25], [sflag:$0x1] =	stream.indirect_vreg.gather [hbm4b:s1+s3], $0x80, v4, vm0, $0xb8;
	[tilespmem:$0x10100] =	vst v63  }
0xaa: {  	_ = 	snop  }
0xab: {  	[tilespmem:s26], [sflag:$0x1] =	stream.indirect_vreg.gather [hbm4b:s1+s3], $0x80, v3, vm0, $0xb8;
	[tilespmem:$0x10100] =	vst v63  }
0xac: {  	v3 =	vld [tilespmem:$0xE0];
	_ =	sdelay $0x4  }
0xad: {  	v62 =	vshll.u32 v3, $0x1  }
0xae: {  	v3 =	vand.u32 $0x7, v3;
	v4 =	vand.u32 $0xFFFFFFF0, v62  }
0xaf: {  	v3 =	vor.u32 v3, v4  }
0xb0: {  	v4 =	vperm.xlane v3, v0;
	_ =	sdelay $0x1  }
0xb1: {  	v3 =	vperm.xlane v3, v2;
	v4 =	vadd.s32 v1, v4;
	_ =	sdelay $0x1  }
0xb2: {  	v3 =	vadd.s32 v1, v3;
	_ =	sdelay $0x2  }
0xb3: {  	[tilespmem:s28], [sflag:$0x1] =	stream.indirect_vreg.gather [hbm4b:s1+s3], $0x80, v4, vm0, $0xb8;
	[tilespmem:$0x10100] =	vst v63  }
0xb4: {  	_ = 	snop  }
0xb5: {  	[tilespmem:s29], [sflag:$0x1] =	stream.indirect_vreg.gather [hbm4b:s1+s3], $0x80, v3, vm0, $0xb8;
	[tilespmem:$0x10100] =	vst v63  }
0xb6: {  	v3 =	vld [tilespmem:$0xF0];
	_ =	sdelay $0x4  }
0xb7: {  	v63 =	vshll.u32 v3, $0x1  }
0xb8: {  	v3 =	vand.u32 $0x7, v3;
	v4 =	vand.u32 $0xFFFFFFF0, v63  }
0xb9: {  	v3 =	vor.u32 v3, v4  }
0xba: {  	v4 =	vperm.xlane v3, v0;
	_ =	sdelay $0x1  }
0xbb: {  	v3 =	vperm.xlane v3, v2;
	v4 =	vadd.s32 v1, v4;
	_ =	sdelay $0x1  }
0xbc: {  	v3 =	vadd.s32 v1, v3;
	_ =	sdelay $0x2  }
0xbd: {  	[tilespmem:s30], [sflag:$0x1] =	stream.indirect_vreg.gather [hbm4b:s1+s3], $0x80, v4, vm0, $0xb8;
	[tilespmem:$0x10100] =	vst v63  }
0xbe: {  	_ = 	snop  }
0xbf: {  	[tilespmem:s31], [sflag:$0x1] =	stream.indirect_vreg.gather [hbm4b:s1+s3], $0x80, v3, vm0, $0xb8;
	[tilespmem:$0x10100] =	vst v63  }
0xc0: {  	_ =	swait.ge [sflag:s2], $0x10000  }
0xc1: {  	p0 =	sne.s32 s4, $0x1;
	[sflag:s2] =	ssyncset.done $0x0  }
.Ltmp0:
0xc2: {  	s7 =	rddreg [dreg:$0x5];
	[sflag:s2] =	ssyncadd.s32 $0xFFFF0000;
	(pc) =	sbr.rel @p0 .LBB2_1-.Ltmp0, $4  }
0xc3: {  	[hbm4b:s7+s3] =	stream.linear.scatter [tilespmem:s6], [sflag:$0x2], $0x10000, $0x38;
	[tilespmem:$0x10100] =	vst v63  }
0xc4: {  	_ =	swait.ge [sflag:s5], $0x10000  }
0xc5: {  	[sflag:s5] =	ssyncset.done $0x0  }
0xc6: {  	s4 =	sadd.s32 $0xFFFFFFFF, s4;
	[sflag:s5] =	ssyncadd.s32 $0xFFFF0000  }
0xc7: {  	_ =	sfence.sel $0x180000  }
0xc8: {  	[bflag:$0x0] =	sbarrier.arrive $0xFFFF  }
0xc9: {  	_ =	strace $0x9000004A  }
0xca: {  	s0 =	stileid.u32;
	[bflag:$0x2] =	sbarrier.arrive $0xFFFF  }
0xcb: {  	p0 =	sne.s32 s0, $0x0;
	s0 =	rddreg [dreg:$0x3]  }
0xcc: {  	s0 =	sadd.s32 @!p0 $0x100000, s0  }
0xcd: {  	[sflag:s0] =	ssyncadd.tile.s32 @!p0 $0x1;
	_ =	shalt  }
.Lfunc_end2:
_tile_overlayer_lowered:
.L_overlay_start_2:
0xce: {  	(tag) =	ssettag $0x2  }
0xcf: {  	s0 =	rddreg [dreg:$0x0];
	s2 =	stileid.u32  }
0xd0: {  	s1 =	rddreg [dreg:$0x1];
	p0 =	sne.s32 s2, $0x0  }
0xd1: {  	s3 =	rddreg [dreg:$0x2];
	[bflag:$0x3] =	sbarrier.arrive $0xFFFF;
	s2 =	simm.s32 @!p0 $0x1C02  }
0xd2: {  	[timem:s3], [sflag:s2] =	dma.local @!p0 [hbm:s0], s1  }
0xd3: {  	s0 =	simm.s32 @!p0 $0x2  }
0xd4: {  	_ =	swait.ge @!p0 [sflag:s0], s1  }
0xd5: {  	s1 =	ssub.s32 @!p0 $0x0, s1;
	[sflag:s0] =	ssyncset.done @!p0 $0x0  }
0xd6: {  	[sflag:s0] =	ssyncadd.s32 @!p0 s1  }
0xd7: {  	[bflag:$0x3] =	sbarrier.arrive $0xFFFF  }
0xd8: {  	_ =	shalt  }

// kernel: kernel.20.cloned.1.call-start
scs
__scs_entry_jumppad:
0x0: {  	(pc) =	sbr.rel $0x88, $3  }
0x1: {  	(tag) =	ssettag $0x0;
	lr =	simm.s32 $0x1  }
0x2: {  	[smem:$0x3F90] =	sst lr;
	_ =	strace $0xD0000000  }
0x3: {  	_ = 	snop  }
0x4: {  	_ = 	snop  }
0x5: {  	_ = 	snop  }
0x6: {  	_ = 	snop  }
0x7: {  	_ = 	snop  }
__scs_overlays_trampoline_lowered:
0x8: {  	[smem:$0x3F9F] =	sst s0  }
0x9: {  	[smem:$0x3FA0] =	sst s1  }
0xa: {  	[smem:$0x3FA1] =	sst s2  }
0xb: {  	[smem:$0x3FA2] =	sst s3  }
0xc: {  	[smem:$0x3FA3] =	sst s4  }
0xd: {  	[smem:$0x3FA4] =	sst s5  }
0xe: {  	[smem:$0x3FA5] =	sst s6  }
0xf: {  	[smem:$0x3FA6] =	sst s7  }
0x10: {  	[smem:$0x3FA7] =	sst s8  }
0x11: {  	[smem:$0x3FA8] =	sst s9;
	s0 =	simm.s32 @!p0 $0x0  }
0x12: {  	s1 =	sld [smem:$0x3F8E];
	s0 =	simm.s32 @p0 $0x1  }
0x13: {  	[smem:$0x3FA9] =	sst s0;
	s0 =	simm.s32 @!p1 $0x0  }
0x14: {  	s2 =	sld [smem:$0x3F8D];
	s0 =	simm.s32 @p1 $0x1  }
0x15: {  	[smem:$0x3FAA] =	sst s0;
	s0 =	simm.s32 @!p2 $0x0  }
0x16: {  	s3 =	sld [smem:$0x3FDB];
	s0 =	simm.s32 @p2 $0x1  }
0x17: {  	s4 =	simm.s32 $0x1BF5;
	[smem:$0x3FAC] =	sst s0  }
0x18: {  	s0 =	sld [smem:$0x3F8F];
	_ =	swait.ge [sflag:s4], $0x0  }
0x19: {  	s7 =	sld [smem:$0x3F90]  }
0x1a: {  	s8 =	sadd.s32 $0xFFFFE003, lr  }
0x1b: {  	s9 =	sadd.s32 $0xFFFFFEF7, lr;
	s5 =	simm.s32 $0xFFFFFFFF;
	p2 =	slt.u32 s8, $0xFFFFF086  }
0x1c: {  	p1 =	slt.u32 s9, $0xF7A;
	s5 =	simm.s32 @!p2 $0x0  }
0x1d: {  	s5 =	simm.s32 @p1 $0x1;
	p0 =	seq.s32 s7, s2  }
0x1e: {  	s7 =	smul.u32 @!p0 $0xF7A, s2;
	p2 =	seq.s32 @!p0 s5, $0x0  }
0x1f: {  	s9 =	smul.u32 $0xF7A, s1;
	s8 =	simm.s32 @!p0 $0x1BF5;
	p2 =	por !p2, p0  }
0x20: {  	[sflag:s8] =	ssyncset.s32 @!p0 $0xFFFFF086;
	s6 =	sadd.s32 @!p0 s3, s7;
	s7 =	simm.s32 @!p0 $0x108  }
0x21: {  	s3 =	sadd.s32 s3, s9;
	s6 =	sadd.s32 @!p0 $0x88, s6;
	s7 =	simm.s32 @p2 $0x1082  }
0x22: {  	[simem:s7], [sflag:s8] =	dma.local @!p0 [hbm:s6], $0xF7A  }
0x23: {  	s9 =	sor.u32 $0xD0000000, s2;
	s6 =	simm.s32 $0x108;
	_ =	swait.ge @!p0 [sflag:s8], $0x0  }
0x24: {  	s3 =	sadd.s32 $0x88, s3;
	s6 =	simm.s32 @!p1 $0x1082;
	[sflag:s4] =	ssyncset.s32 $0xFFFFF086  }
0x25: {  	[simem:s6], [sflag:s4] =	dma.local [hbm:s3], $0xF7A  }
0x26: {  	[smem:$0x3F90] =	sst s1;
	(tag) =	ssettag s2;
	_ =	strace s9  }
0x27: {  	s1 =	sld [smem:$0x3FA0]  }
0x28: {  	s2 =	sld [smem:$0x3FA1]  }
0x29: {  	s4 =	sld [smem:$0x3FA3]  }
0x2a: {  	p0 =	seq.s32 s5, $0x0;
	s5 =	sld [smem:$0x3FA4]  }
0x2b: {  	s6 =	sld [smem:$0x3FA5]  }
0x2c: {  	s7 =	sld [smem:$0x3FA6]  }
0x2d: {  	s3 =	simm.s32 $0x108;
	s8 =	sld [smem:$0x3FA7]  }
0x2e: {  	s3 =	simm.s32 @!p0 $0x1082;
	s9 =	sld [smem:$0x3FA8]  }
0x2f: {  	lr =	sadd.s32 s0, s3;
	s0 =	sld [smem:$0x3F9F]  }
0x30: {  	s3 =	sld [smem:$0x3FA2]  }
0x31: {  	[smem:$0x3FAB] =	sst s10  }
0x32: {  	s10 =	sld [smem:$0x3FA9];
	_ =	sdelay $0x3  }
0x33: {  	p0 =	seq.s32 s10, $0x1;
	s10 =	sld [smem:$0x3FAB];
	_ =	sdelay $0x3  }
0x34: {  	[smem:$0x3FAB] =	sst s10  }
0x35: {  	s10 =	sld [smem:$0x3FAA];
	_ =	sdelay $0x3  }
0x36: {  	p1 =	seq.s32 s10, $0x1;
	s10 =	sld [smem:$0x3FAB];
	_ =	sdelay $0x3  }
0x37: {  	[smem:$0x3FAB] =	sst s10  }
0x38: {  	s10 =	sld [smem:$0x3FAC]  }
0x39: {  	_ = 	snop;
	(pc) =	sbr.ind lr, $3  }
0x3a: {  	_ = 	snop  }
0x3b: {  	_ = 	snop  }
0x3c: {  	p2 =	seq.s32 s10, $0x1;
	s10 =	sld [smem:$0x3FAB]  }
0x3d: {  	_ =	shalt  }
0x3e: {  	_ =	shalt  }
0x3f: {  	_ =	shalt  }
0x40: {  	_ =	shalt  }
0x41: {  	_ =	shalt  }
0x42: {  	_ =	shalt  }
0x43: {  	_ =	shalt  }
0x44: {  	_ =	shalt  }
0x45: {  	_ =	shalt  }
0x46: {  	_ =	shalt  }
0x47: {  	_ =	shalt  }
0x48: {  	_ =	shalt  }
0x49: {  	_ =	shalt  }
0x4a: {  	_ =	shalt  }
0x4b: {  	_ =	shalt  }
0x4c: {  	_ =	shalt  }
0x4d: {  	_ =	shalt  }
0x4e: {  	_ =	shalt  }
0x4f: {  	_ =	shalt  }
0x50: {  	_ =	shalt  }
0x51: {  	_ =	shalt  }
0x52: {  	_ =	shalt  }
0x53: {  	_ =	shalt  }
0x54: {  	_ =	shalt  }
0x55: {  	_ =	shalt  }
0x56: {  	_ =	shalt  }
0x57: {  	_ =	shalt  }
0x58: {  	_ =	shalt  }
0x59: {  	_ =	shalt  }
0x5a: {  	_ =	shalt  }
0x5b: {  	_ =	shalt  }
0x5c: {  	_ =	shalt  }
0x5d: {  	_ =	shalt  }
0x5e: {  	_ =	shalt  }
0x5f: {  	_ =	shalt  }
0x60: {  	_ =	shalt  }
0x61: {  	_ =	shalt  }
0x62: {  	_ =	shalt  }
0x63: {  	_ =	shalt  }
0x64: {  	_ =	shalt  }
0x65: {  	_ =	shalt  }
0x66: {  	_ =	shalt  }
0x67: {  	_ =	shalt  }
0x68: {  	_ =	shalt  }
0x69: {  	_ =	shalt  }
0x6a: {  	_ =	shalt  }
0x6b: {  	_ =	shalt  }
0x6c: {  	_ =	shalt  }
0x6d: {  	_ =	shalt  }
0x6e: {  	_ =	shalt  }
0x6f: {  	_ =	shalt  }
0x70: {  	_ =	shalt  }
0x71: {  	_ =	shalt  }
0x72: {  	_ =	shalt  }
0x73: {  	_ =	shalt  }
0x74: {  	_ =	shalt  }
0x75: {  	_ =	shalt  }
0x76: {  	_ =	shalt  }
0x77: {  	_ =	shalt  }
0x78: {  	_ =	shalt  }
0x79: {  	_ =	shalt  }
0x7a: {  	_ =	shalt  }
0x7b: {  	_ =	shalt  }
0x7c: {  	_ =	shalt  }
0x7d: {  	_ =	shalt  }
0x7e: {  	_ =	shalt  }
0x7f: {  	_ =	shalt  }
0x80: {  	_ =	shalt  }
0x81: {  	_ =	shalt  }
0x82: {  	_ =	shalt  }
0x83: {  	_ =	shalt  }
0x84: {  	_ =	shalt  }
0x85: {  	_ =	shalt  }
0x86: {  	_ =	shalt  }
0x87: {  	_ =	shalt  }
.Lfunc_end0:
.L_simem_size_0:
called_computation.2_lowered:
.L_overlay_start_0:
0x88: {  	s2 =	sld [smem:$0x3FD9]  }
0x89: {  	s3 =	sld [smem:$0x3FFE];
	_ =	sdelay $0x1  }
0x8a: {  	s1 =	srdreg.scid  }
0x8b: {  	s0 =	sand.u32 $0x1, s1  }
0x8c: {  	s14 =	sshll.u32 s0, $0xA;
	s2 =	sadd.s32 s3, s2  }
0x8d: {  	s2 =	sadd.s32 s2, s14  }
0x8e: {  	[smem:$0x3FB7] =	sst s2  }
0x8f: {  	_ = 	snop  }
0x90: {  	s2 =	sld [smem:$0x3FD0];
	_ =	sdelay $0x2  }
0x91: {  	s15 =	simm.s32 $0xA;
	s4 =	simm.s32 $0x10  }
0x92: {  	[smem:s4], [sflag:s15] =	dma.local [hbm:s2], $0x1  }
0x93: {  	_ =	swait.eq [sflag:s15], $0x1  }
0x94: {  	[sflag:s15] =	ssyncset.done $0x0  }
0x95: {  	[sflag:s15] =	ssyncadd.s32 $0xFFFFFFFF  }
0x96: {  	s16 =	sld [smem:$0x10];
	(tm) =	ssettm $0x1  }
0x97: {  	s17 =	sld [smem:$0x3FFB];
	_ =	sdelay $0x3  }
0x98: {  	_ =	strace s17  }
0x99: {  	s3 =	sld [smem:$0x3FFC];
	_ =	sdelay $0x3  }
0x9a: {  	_ =	strace s3  }
0x9b: {  	s3 =	sld [smem:$0x3FFD];
	_ =	sdelay $0x3  }
0x9c: {  	_ =	strace s3  }
0x9d: {  	_ =	strace $0x8FFFFFFF  }
0x9e: {  	s18 =	sld [smem:$0x3FDB];
	_ =	sdelay $0x1  }
0x9f: {  	s19 =	simm.s32 $_scs_section_size  }
0xa0: {  	s5 =	simm.s32 $_size__tile_overlayer_lowered;
	s6 =	simm.s32 $_tile_overlayer_lowered  }
0xa1: {  	s22 =	simm.s32 $0x1BFF;
	s21 =	sshll.u32 s6, $0x1;
	s3 =	sadd.s32 s19, s18  }
0xa2: {  	s7 =	simm.s32 $0x0;
	s20 =	sshll.u32 s5, $0x1;
	s5 =	sadd.s32 s21, s3  }
0xa3: {  	[timem:s7], [sflag:s22] =	dma.local [hbm:s5], s20  }
0xa4: {  	_ =	swait.ge [sflag:s22], s20  }
0xa5: {  	s4 =	ssub.s32 $0x0, s20;
	[sflag:s22] =	ssyncset.done $0x0  }
0xa6: {  	[sflag:s22] =	ssyncadd.s32 s4;
	_ =	sdelay $0x1  }
0xa7: {  	s23 =	simm.s32 $0x1B8B  }
0xa8: {  	_ =	swait.ge [sflag:s23], $0x1  }
0xa9: {  	[sflag:s23] =	ssyncset.done $0x0  }
0xaa: {  	s25 =	simm.s32 $0x1B8E;
	s24 =	sld [smem:$0x3FFE];
	[sflag:s23] =	ssyncadd.s32 $0xFFFFFFFF  }
0xab: {  	s26 =	simm.s32 $execute0_lowered;
	[smem:$0x3FD2] =	sst s25  }
0xac: {  	s5 =	sshll.u32 s26, $0x1;
	_ =	strace $0x8000004C;
	[dreg:$0x1] =	wrdreg $0xFFFFFFFF  }
0xad: {  	s28 =	simm.s32 $_size_execute0_lowered;
	s3 =	sadd.s32 s3, s5;
	[dreg:$0x0] =	wrdreg $0x0  }
0xae: {  	s5 =	sshll.u32 s28, $0x1;
	[dreg:$0x2] =	wrdreg s3  }
0xaf: {  	[dreg:$0x3] =	wrdreg s5  }
0xb0: {  	[dreg:$0x4] =	wrdreg $0xC0  }
0xb1: {  	_ =	task [dreg:s7], $0x5FFFF  }
0xb2: {  	[dreg:$0x1] =	wrdreg $0xFFFFFFFF  }
0xb3: {  	[dreg:$0x0] =	wrdreg $0x60  }
0xb4: {  	[dreg:$0x2] =	wrdreg s24  }
0xb5: {  	[dreg:$0x3] =	wrdreg s16  }
0xb6: {  	[dreg:$0x4] =	wrdreg $0x9  }
0xb7: {  	_ =	task.clear_ibuf [dreg:s7], $0x5FFFF;
	_ =	strace $0x9000004C  }
0xb8: {  	s29 =	simm.s32 $0x9;
	_ =	strace $0x8000004E  }
0xb9: {  	_ =	swait.ge [sflag:s29], $0x1  }
0xba: {  	[sflag:s29] =	ssyncadd.s32 $0xFFFFFFFF  }
0xbb: {  	_ =	strace $0x9000004E  }
0xbc: {  	_ =	sfence  }
0xbd: {  	s30 =	sld [smem:$0x0];
	_ =	sdelay $0x2  }
0xbe: {  	s31 =	sshll.u32 s1, $0xD;
	s1 =	sshrl.u32 s1, $0x2  }
0xbf: {  	s3 =	sand.u32 $0x4000, s31;
	s1 =	sadd.s32 s1, s30  }
0xc0: {  	s0 =	sor.u32 s3, s0;
	s1 =	sshll.u32 s1, $0x11  }
0xc1: {  	s0 =	sor.u32 s1, s0  }
0xc2: {  	s0 =	sadd.s32 $0x8F2B, s0  }
0xc3: {  	[sflag:s0] =	ssyncadd.remote.s32 $0x1  }
0xc4: {  	_ =	sfence.sel $0xFFFF  }
0xc5: {  	[dreg:$0x0] =	wrdreg $0xFFFFFFFF;
	(pc) =	sbr.abs _section_cstart, $3  }
0xc6: {  	[dreg:$0x1] =	wrdreg $0xFFFFFFFF  }
0xc7: {  	_ =	task.clear_ibuf [dreg:s7], $0x2FFFF;
	_ =	strace $0x9FFFFFFF  }
0xc8: {  	(tm) =	ssettm $0x7FFFFFFF  }
0xc9: {  	_ =	shalt  }
tec
execute0_lowered:
.L_overlay_start_1:
0x0: {  	(tag) =	ssettag $0x1  }
0x1: {  	s1 =	srdreg.scid  }
0x2: {  	s3 =	rddreg [dreg:$0x0];
	s0 =	stileid.u32  }
0x3: {  	s4 =	rddreg [dreg:$0x1];
	s2 =	simm.s32 $0x0;
	s19 =	simm.s32 $0x900  }
0x4: {  	s20 =	simm.s32 $0x1100;
	s21 =	simm.s32 $0x1900;
	s23 =	simm.s32 $0x2100  }
0x5: {  	s24 =	simm.s32 $0x2900;
	s25 =	simm.s32 $0x3100;
	s26 =	simm.s32 $0x3900  }
0x6: {  	s8 =	simm.s32 $0x4900;
	s9 =	simm.s32 $0x5100;
	s10 =	simm.s32 $0x5900  }
0x7: {  	s11 =	simm.s32 $0x6100;
	s12 =	simm.s32 $0x6900;
	[smem:$0x7FF] =	sst s2  }
0x8: {  	s13 =	simm.s32 $0x7100;
	_ =	strace $0x8000004D;
	[dreg:$0x5] =	wrdreg s19  }
0x9: {  	s14 =	simm.s32 $0x7900;
	s15 =	simm.s32 $0x8100;
	[dreg:$0x6] =	wrdreg s20  }
0xa: {  	s16 =	simm.s32 $0x8900;
	s17 =	simm.s32 $0x9100;
	[dreg:$0x7] =	wrdreg s21  }
0xb: {  	s28 =	simm.s32 $0xE100;
	s29 =	simm.s32 $0xE900;
	[dreg:$0x8] =	wrdreg s23  }
0xc: {  	s30 =	simm.s32 $0xF100;
	s31 =	simm.s32 $0xF900;
	[dreg:$0x9] =	wrdreg s24  }
0xd: {  	s1 =	sand.u32 $0x1, s1;
	s5 =	sshll.u32 s0, $0x9;
	[dreg:$0xa] =	wrdreg s25  }
0xe: {  	s6 =	sshll.u32 s1, $0x8;
	s1 =	ssub.s32 $0x2, s1;
	[dreg:$0xb] =	wrdreg s26  }
0xf: {  	s19 =	simm.s32 $0xA100;
	s20 =	simm.s32 $0xA900;
	s21 =	simm.s32 $0xB100  }
0x10: {  	s23 =	simm.s32 $0xC100;
	s24 =	simm.s32 $0xC900;
	s25 =	simm.s32 $0xD100  }
0x11: {  	s26 =	simm.s32 $0xD900;
	s5 =	sor.u32 s6, s5;
	s22 =	sshrl.u32 s1, $0x1  }
0x12: {  	s6 =	sshll.u32 s5, $0x5;
	s5 =	sshrl.u32 s5, $0x3;
	s1 =	ssub.s32 s1, s22  }
0x13: {  	s22 =	simm.s32 $0xB900;
	s6 =	sadd.s32 s6, s3;
	s4 =	sadd.s32 s4, s5  }
0x14: {  	v2 =	vlaneseq.u32;
	s3 =	sadd.s32 $0x8400, s3;
	s5 =	simm.s32 $0x2;
	[dreg:$0x3] =	wrdreg s4  }
0x15: {  	vm0 =	vmmov $0xffff;
	v1 =	vshrl.u32 v2, $0x3;
	s18 =	sadd.s32 $0x158400, s6;
	s4 =	smax.u32 s1, $0x1;
	s6 =	simm.s32 $0x100  }
0x16: {  	v0 =	vand.u32 $0x7, v2;
	v2 =	vor.u32 $0x8, v2;
	v1 =	vmul.u32 $0x8, v1;
	s1 =	simm.s32 $0x1;
	[dreg:$0x4] =	wrdreg s18;
	s18 =	simm.s32 $0x9900  }
.LBB2_1:
0x17: {  	s0 =	rddreg [dreg:$0x3]  }
0x18: {  	[tilespmem:s2], [sflag:$0x2] =	stream.linear.gather [hbm4b:s0+s2], $0x100, $0x38;
	[tilespmem:$0x10100] =	vst v63  }
0x19: {  	_ =	swait.ge [sflag:s5], $0x100  }
0x1a: {  	[sflag:s5] =	ssyncset.done $0x0  }
0x1b: {  	[sflag:s5] =	ssyncadd.s32 $0xFFFFFF00  }
0x1c: {  	v3 =	vld [tilespmem:$0x0];
	_ =	sdelay $0x4  }
0x1d: {  	v4 =	vshll.u32 v3, $0x1  }
0x1e: {  	v3 =	vand.u32 $0x7, v3;
	v4 =	vand.u32 $0xFFFFFFF0, v4  }
0x1f: {  	v3 =	vor.u32 v3, v4  }
0x20: {  	v4 =	vperm.xlane v3, v0;
	_ =	sdelay $0x1  }
0x21: {  	v3 =	vperm.xlane v3, v2;
	v4 =	vadd.s32 v1, v4;
	_ =	sdelay $0x1  }
0x22: {  	v3 =	vadd.s32 v1, v3;
	_ =	sdelay $0x2  }
0x23: {  	[tilespmem:s6], [sflag:$0x1] =	stream.indirect_vreg.gather [hbm4b:s3+s2], $0x80, v4, vm0, $0xb8;
	[tilespmem:$0x10100] =	vst v63  }
0x24: {  	s7 =	rddreg [dreg:$0x5]  }
0x25: {  	[tilespmem:s7], [sflag:$0x1] =	stream.indirect_vreg.gather [hbm4b:s3+s2], $0x80, v3, vm0, $0xb8;
	[tilespmem:$0x10100] =	vst v63  }
0x26: {  	v3 =	vld [tilespmem:$0x10];
	_ =	sdelay $0x4  }
0x27: {  	v49 =	vshll.u32 v3, $0x1  }
0x28: {  	v3 =	vand.u32 $0x7, v3;
	v4 =	vand.u32 $0xFFFFFFF0, v49  }
0x29: {  	v3 =	vor.u32 v3, v4  }
0x2a: {  	v4 =	vperm.xlane v3, v0;
	_ =	sdelay $0x1  }
0x2b: {  	v3 =	vperm.xlane v3, v2;
	v4 =	vadd.s32 v1, v4;
	_ =	sdelay $0x1  }
0x2c: {  	v3 =	vadd.s32 v1, v3;
	_ =	sdelay $0x1  }
0x2d: {  	s0 =	rddreg [dreg:$0x6]  }
0x2e: {  	[tilespmem:s0], [sflag:$0x1] =	stream.indirect_vreg.gather [hbm4b:s3+s2], $0x80, v4, vm0, $0xb8;
	[tilespmem:$0x10100] =	vst v63  }
0x2f: {  	s7 =	rddreg [dreg:$0x7]  }
0x30: {  	[tilespmem:s7], [sflag:$0x1] =	stream.indirect_vreg.gather [hbm4b:s3+s2], $0x80, v3, vm0, $0xb8;
	[tilespmem:$0x10100] =	vst v63  }
0x31: {  	v3 =	vld [tilespmem:$0x20];
	_ =	sdelay $0x4  }
0x32: {  	v50 =	vshll.u32 v3, $0x1  }
0x33: {  	v3 =	vand.u32 $0x7, v3;
	v4 =	vand.u32 $0xFFFFFFF0, v50  }
0x34: {  	v3 =	vor.u32 v3, v4  }
0x35: {  	v4 =	vperm.xlane v3, v0;
	_ =	sdelay $0x1  }
0x36: {  	v3 =	vperm.xlane v3, v2;
	v4 =	vadd.s32 v1, v4;
	_ =	sdelay $0x1  }
0x37: {  	v3 =	vadd.s32 v1, v3;
	_ =	sdelay $0x1  }
0x38: {  	s0 =	rddreg [dreg:$0x8]  }
0x39: {  	[tilespmem:s0], [sflag:$0x1] =	stream.indirect_vreg.gather [hbm4b:s3+s2], $0x80, v4, vm0, $0xb8;
	[tilespmem:$0x10100] =	vst v63  }
0x3a: {  	s7 =	rddreg [dreg:$0x9]  }
0x3b: {  	[tilespmem:s7], [sflag:$0x1] =	stream.indirect_vreg.gather [hbm4b:s3+s2], $0x80, v3, vm0, $0xb8;
	[tilespmem:$0x10100] =	vst v63  }
0x3c: {  	v3 =	vld [tilespmem:$0x30];
	_ =	sdelay $0x4  }
0x3d: {  	v51 =	vshll.u32 v3, $0x1  }
0x3e: {  	v3 =	vand.u32 $0x7, v3;
	v4 =	vand.u32 $0xFFFFFFF0, v51  }
0x3f: {  	v3 =	vor.u32 v3, v4  }
0x40: {  	v4 =	vperm.xlane v3, v0;
	_ =	sdelay $0x1  }
0x41: {  	v3 =	vperm.xlane v3, v2;
	v4 =	vadd.s32 v1, v4;
	_ =	sdelay $0x1  }
0x42: {  	v3 =	vadd.s32 v1, v3;
	_ =	sdelay $0x1  }
0x43: {  	s0 =	rddreg [dreg:$0xa]  }
0x44: {  	[tilespmem:s0], [sflag:$0x1] =	stream.indirect_vreg.gather [hbm4b:s3+s2], $0x80, v4, vm0, $0xb8;
	[tilespmem:$0x10100] =	vst v63  }
0x45: {  	s7 =	rddreg [dreg:$0xb]  }
0x46: {  	[tilespmem:s7], [sflag:$0x1] =	stream.indirect_vreg.gather [hbm4b:s3+s2], $0x80, v3, vm0, $0xb8;
	[tilespmem:$0x10100] =	vst v63  }
0x47: {  	v3 =	vld [tilespmem:$0x40];
	_ =	sdelay $0x4  }
0x48: {  	v52 =	vshll.u32 v3, $0x1  }
0x49: {  	v3 =	vand.u32 $0x7, v3;
	v4 =	vand.u32 $0xFFFFFFF0, v52  }
0x4a: {  	v3 =	vor.u32 v3, v4  }
0x4b: {  	v4 =	vperm.xlane v3, v0;
	_ =	sdelay $0x1  }
0x4c: {  	v3 =	vperm.xlane v3, v2;
	v4 =	vadd.s32 v1, v4;
	_ =	sdelay $0x1  }
0x4d: {  	v3 =	vadd.s32 v1, v3;
	_ =	sdelay $0x1  }
0x4e: {  	s7 =	simm.s32 $0x4100  }
0x4f: {  	[tilespmem:s7], [sflag:$0x1] =	stream.indirect_vreg.gather [hbm4b:s3+s2], $0x80, v4, vm0, $0xb8;
	[tilespmem:$0x10100] =	vst v63  }
0x50: {  	_ = 	snop  }
0x51: {  	[tilespmem:s8], [sflag:$0x1] =	stream.indirect_vreg.gather [hbm4b:s3+s2], $0x80, v3, vm0, $0xb8;
	[tilespmem:$0x10100] =	vst v63  }
0x52: {  	v3 =	vld [tilespmem:$0x50];
	_ =	sdelay $0x4  }
0x53: {  	v53 =	vshll.u32 v3, $0x1  }
0x54: {  	v3 =	vand.u32 $0x7, v3;
	v4 =	vand.u32 $0xFFFFFFF0, v53  }
0x55: {  	v3 =	vor.u32 v3, v4  }
0x56: {  	v4 =	vperm.xlane v3, v0;
	_ =	sdelay $0x1  }
0x57: {  	v3 =	vperm.xlane v3, v2;
	v4 =	vadd.s32 v1, v4;
	_ =	sdelay $0x1  }
0x58: {  	v3 =	vadd.s32 v1, v3;
	_ =	sdelay $0x2  }
0x59: {  	[tilespmem:s9], [sflag:$0x1] =	stream.indirect_vreg.gather [hbm4b:s3+s2], $0x80, v4, vm0, $0xb8;
	[tilespmem:$0x10100] =	vst v63  }
0x5a: {  	_ = 	snop  }
0x5b: {  	[tilespmem:s10], [sflag:$0x1] =	stream.indirect_vreg.gather [hbm4b:s3+s2], $0x80, v3, vm0, $0xb8;
	[tilespmem:$0x10100] =	vst v63  }
0x5c: {  	v3 =	vld [tilespmem:$0x60];
	_ =	sdelay $0x4  }
0x5d: {  	v54 =	vshll.u32 v3, $0x1  }
0x5e: {  	v3 =	vand.u32 $0x7, v3;
	v4 =	vand.u32 $0xFFFFFFF0, v54  }
0x5f: {  	v3 =	vor.u32 v3, v4  }
0x60: {  	v4 =	vperm.xlane v3, v0;
	_ =	sdelay $0x1  }
0x61: {  	v3 =	vperm.xlane v3, v2;
	v4 =	vadd.s32 v1, v4;
	_ =	sdelay $0x1  }
0x62: {  	v3 =	vadd.s32 v1, v3;
	_ =	sdelay $0x2  }
0x63: {  	[tilespmem:s11], [sflag:$0x1] =	stream.indirect_vreg.gather [hbm4b:s3+s2], $0x80, v4, vm0, $0xb8;
	[tilespmem:$0x10100] =	vst v63  }
0x64: {  	_ = 	snop  }
0x65: {  	[tilespmem:s12], [sflag:$0x1] =	stream.indirect_vreg.gather [hbm4b:s3+s2], $0x80, v3, vm0, $0xb8;
	[tilespmem:$0x10100] =	vst v63  }
0x66: {  	v3 =	vld [tilespmem:$0x70];
	_ =	sdelay $0x4  }
0x67: {  	v55 =	vshll.u32 v3, $0x1  }
0x68: {  	v3 =	vand.u32 $0x7, v3;
	v4 =	vand.u32 $0xFFFFFFF0, v55  }
0x69: {  	v3 =	vor.u32 v3, v4  }
0x6a: {  	v4 =	vperm.xlane v3, v0;
	_ =	sdelay $0x1  }
0x6b: {  	v3 =	vperm.xlane v3, v2;
	v4 =	vadd.s32 v1, v4;
	_ =	sdelay $0x1  }
0x6c: {  	v3 =	vadd.s32 v1, v3;
	_ =	sdelay $0x2  }
0x6d: {  	[tilespmem:s13], [sflag:$0x1] =	stream.indirect_vreg.gather [hbm4b:s3+s2], $0x80, v4, vm0, $0xb8;
	[tilespmem:$0x10100] =	vst v63  }
0x6e: {  	_ = 	snop  }
0x6f: {  	[tilespmem:s14], [sflag:$0x1] =	stream.indirect_vreg.gather [hbm4b:s3+s2], $0x80, v3, vm0, $0xb8;
	[tilespmem:$0x10100] =	vst v63  }
0x70: {  	v3 =	vld [tilespmem:$0x80];
	_ =	sdelay $0x4  }
0x71: {  	v56 =	vshll.u32 v3, $0x1  }
0x72: {  	v3 =	vand.u32 $0x7, v3;
	v4 =	vand.u32 $0xFFFFFFF0, v56  }
0x73: {  	v3 =	vor.u32 v3, v4  }
0x74: {  	v4 =	vperm.xlane v3, v0;
	_ =	sdelay $0x1  }
0x75: {  	v3 =	vperm.xlane v3, v2;
	v4 =	vadd.s32 v1, v4;
	_ =	sdelay $0x1  }
0x76: {  	v3 =	vadd.s32 v1, v3;
	_ =	sdelay $0x2  }
0x77: {  	[tilespmem:s15], [sflag:$0x1] =	stream.indirect_vreg.gather [hbm4b:s3+s2], $0x80, v4, vm0, $0xb8;
	[tilespmem:$0x10100] =	vst v63  }
0x78: {  	_ = 	snop  }
0x79: {  	[tilespmem:s16], [sflag:$0x1] =	stream.indirect_vreg.gather [hbm4b:s3+s2], $0x80, v3, vm0, $0xb8;
	[tilespmem:$0x10100] =	vst v63  }
0x7a: {  	v3 =	vld [tilespmem:$0x90];
	_ =	sdelay $0x4  }
0x7b: {  	v57 =	vshll.u32 v3, $0x1  }
0x7c: {  	v3 =	vand.u32 $0x7, v3;
	v4 =	vand.u32 $0xFFFFFFF0, v57  }
0x7d: {  	v3 =	vor.u32 v3, v4  }
0x7e: {  	v4 =	vperm.xlane v3, v0;
	_ =	sdelay $0x1  }
0x7f: {  	v3 =	vperm.xlane v3, v2;
	v4 =	vadd.s32 v1, v4;
	_ =	sdelay $0x1  }
0x80: {  	v3 =	vadd.s32 v1, v3;
	_ =	sdelay $0x2  }
0x81: {  	[tilespmem:s17], [sflag:$0x1] =	stream.indirect_vreg.gather [hbm4b:s3+s2], $0x80, v4, vm0, $0xb8;
	[tilespmem:$0x10100] =	vst v63  }
0x82: {  	_ = 	snop  }
0x83: {  	[tilespmem:s18], [sflag:$0x1] =	stream.indirect_vreg.gather [hbm4b:s3+s2], $0x80, v3, vm0, $0xb8;
	[tilespmem:$0x10100] =	vst v63  }
0x84: {  	v3 =	vld [tilespmem:$0xA0];
	_ =	sdelay $0x4  }
0x85: {  	v58 =	vshll.u32 v3, $0x1  }
0x86: {  	v3 =	vand.u32 $0x7, v3;
	v4 =	vand.u32 $0xFFFFFFF0, v58  }
0x87: {  	v3 =	vor.u32 v3, v4  }
0x88: {  	v4 =	vperm.xlane v3, v0;
	_ =	sdelay $0x1  }
0x89: {  	v3 =	vperm.xlane v3, v2;
	v4 =	vadd.s32 v1, v4;
	_ =	sdelay $0x1  }
0x8a: {  	v3 =	vadd.s32 v1, v3;
	_ =	sdelay $0x2  }
0x8b: {  	[tilespmem:s19], [sflag:$0x1] =	stream.indirect_vreg.gather [hbm4b:s3+s2], $0x80, v4, vm0, $0xb8;
	[tilespmem:$0x10100] =	vst v63  }
0x8c: {  	_ = 	snop  }
0x8d: {  	[tilespmem:s20], [sflag:$0x1] =	stream.indirect_vreg.gather [hbm4b:s3+s2], $0x80, v3, vm0, $0xb8;
	[tilespmem:$0x10100] =	vst v63  }
0x8e: {  	v3 =	vld [tilespmem:$0xB0];
	_ =	sdelay $0x4  }
0x8f: {  	v59 =	vshll.u32 v3, $0x1  }
0x90: {  	v3 =	vand.u32 $0x7, v3;
	v4 =	vand.u32 $0xFFFFFFF0, v59  }
0x91: {  	v3 =	vor.u32 v3, v4  }
0x92: {  	v4 =	vperm.xlane v3, v0;
	_ =	sdelay $0x1  }
0x93: {  	v3 =	vperm.xlane v3, v2;
	v4 =	vadd.s32 v1, v4;
	_ =	sdelay $0x1  }
0x94: {  	v3 =	vadd.s32 v1, v3;
	_ =	sdelay $0x2  }
0x95: {  	[tilespmem:s21], [sflag:$0x1] =	stream.indirect_vreg.gather [hbm4b:s3+s2], $0x80, v4, vm0, $0xb8;
	[tilespmem:$0x10100] =	vst v63  }
0x96: {  	_ = 	snop  }
0x97: {  	[tilespmem:s22], [sflag:$0x1] =	stream.indirect_vreg.gather [hbm4b:s3+s2], $0x80, v3, vm0, $0xb8;
	[tilespmem:$0x10100] =	vst v63  }
0x98: {  	v3 =	vld [tilespmem:$0xC0];
	_ =	sdelay $0x4  }
0x99: {  	v60 =	vshll.u32 v3, $0x1  }
0x9a: {  	v3 =	vand.u32 $0x7, v3;
	v4 =	vand.u32 $0xFFFFFFF0, v60  }
0x9b: {  	v3 =	vor.u32 v3, v4  }
0x9c: {  	v4 =	vperm.xlane v3, v0;
	_ =	sdelay $0x1  }
0x9d: {  	v3 =	vperm.xlane v3, v2;
	v4 =	vadd.s32 v1, v4;
	_ =	sdelay $0x1  }
0x9e: {  	v3 =	vadd.s32 v1, v3;
	_ =	sdelay $0x2  }
0x9f: {  	[tilespmem:s23], [sflag:$0x1] =	stream.indirect_vreg.gather [hbm4b:s3+s2], $0x80, v4, vm0, $0xb8;
	[tilespmem:$0x10100] =	vst v63  }
0xa0: {  	_ = 	snop  }
0xa1: {  	[tilespmem:s24], [sflag:$0x1] =	stream.indirect_vreg.gather [hbm4b:s3+s2], $0x80, v3, vm0, $0xb8;
	[tilespmem:$0x10100] =	vst v63  }
0xa2: {  	v3 =	vld [tilespmem:$0xD0];
	_ =	sdelay $0x4  }
0xa3: {  	v61 =	vshll.u32 v3, $0x1  }
0xa4: {  	v3 =	vand.u32 $0x7, v3;
	v4 =	vand.u32 $0xFFFFFFF0, v61  }
0xa5: {  	v3 =	vor.u32 v3, v4  }
0xa6: {  	v4 =	vperm.xlane v3, v0;
	_ =	sdelay $0x1  }
0xa7: {  	v3 =	vperm.xlane v3, v2;
	v4 =	vadd.s32 v1, v4;
	_ =	sdelay $0x1  }
0xa8: {  	v3 =	vadd.s32 v1, v3;
	_ =	sdelay $0x2  }
0xa9: {  	[tilespmem:s25], [sflag:$0x1] =	stream.indirect_vreg.gather [hbm4b:s3+s2], $0x80, v4, vm0, $0xb8;
	[tilespmem:$0x10100] =	vst v63  }
0xaa: {  	_ = 	snop  }
0xab: {  	[tilespmem:s26], [sflag:$0x1] =	stream.indirect_vreg.gather [hbm4b:s3+s2], $0x80, v3, vm0, $0xb8;
	[tilespmem:$0x10100] =	vst v63  }
0xac: {  	v3 =	vld [tilespmem:$0xE0];
	_ =	sdelay $0x4  }
0xad: {  	v62 =	vshll.u32 v3, $0x1  }
0xae: {  	v3 =	vand.u32 $0x7, v3;
	v4 =	vand.u32 $0xFFFFFFF0, v62  }
0xaf: {  	v3 =	vor.u32 v3, v4  }
0xb0: {  	v4 =	vperm.xlane v3, v0;
	_ =	sdelay $0x1  }
0xb1: {  	v3 =	vperm.xlane v3, v2;
	v4 =	vadd.s32 v1, v4;
	_ =	sdelay $0x1  }
0xb2: {  	v3 =	vadd.s32 v1, v3;
	_ =	sdelay $0x2  }
0xb3: {  	[tilespmem:s28], [sflag:$0x1] =	stream.indirect_vreg.gather [hbm4b:s3+s2], $0x80, v4, vm0, $0xb8;
	[tilespmem:$0x10100] =	vst v63  }
0xb4: {  	_ = 	snop  }
0xb5: {  	[tilespmem:s29], [sflag:$0x1] =	stream.indirect_vreg.gather [hbm4b:s3+s2], $0x80, v3, vm0, $0xb8;
	[tilespmem:$0x10100] =	vst v63  }
0xb6: {  	v3 =	vld [tilespmem:$0xF0];
	_ =	sdelay $0x4  }
0xb7: {  	v63 =	vshll.u32 v3, $0x1  }
0xb8: {  	v3 =	vand.u32 $0x7, v3;
	v4 =	vand.u32 $0xFFFFFFF0, v63  }
0xb9: {  	v3 =	vor.u32 v3, v4  }
0xba: {  	v4 =	vperm.xlane v3, v0;
	_ =	sdelay $0x1  }
0xbb: {  	v3 =	vperm.xlane v3, v2;
	v4 =	vadd.s32 v1, v4;
	_ =	sdelay $0x1  }
0xbc: {  	v3 =	vadd.s32 v1, v3;
	_ =	sdelay $0x2  }
0xbd: {  	[tilespmem:s30], [sflag:$0x1] =	stream.indirect_vreg.gather [hbm4b:s3+s2], $0x80, v4, vm0, $0xb8;
	[tilespmem:$0x10100] =	vst v63  }
0xbe: {  	_ = 	snop  }
0xbf: {  	[tilespmem:s31], [sflag:$0x1] =	stream.indirect_vreg.gather [hbm4b:s3+s2], $0x80, v3, vm0, $0xb8;
	[tilespmem:$0x10100] =	vst v63  }
0xc0: {  	_ =	swait.ge [sflag:s1], $0x10000  }
0xc1: {  	p0 =	sne.s32 s4, $0x1;
	[sflag:s1] =	ssyncset.done $0x0  }
.Ltmp0:
0xc2: {  	s7 =	rddreg [dreg:$0x4];
	[sflag:s1] =	ssyncadd.s32 $0xFFFF0000;
	(pc) =	sbr.rel @p0 .LBB2_1-.Ltmp0, $4  }
0xc3: {  	[hbm4b:s7+s2] =	stream.linear.scatter [tilespmem:s6], [sflag:$0x2], $0x10000, $0x38;
	[tilespmem:$0x10100] =	vst v63  }
0xc4: {  	_ =	swait.ge [sflag:s5], $0x10000  }
0xc5: {  	[sflag:s5] =	ssyncset.done $0x0  }
0xc6: {  	s4 =	sadd.s32 $0xFFFFFFFF, s4;
	[sflag:s5] =	ssyncadd.s32 $0xFFFF0000  }
0xc7: {  	_ =	sfence.sel $0x180000  }
0xc8: {  	[bflag:$0x0] =	sbarrier.arrive $0xFFFF  }
0xc9: {  	_ =	strace $0x9000004D  }
0xca: {  	s0 =	stileid.u32;
	[bflag:$0x2] =	sbarrier.arrive $0xFFFF  }
0xcb: {  	p0 =	sne.s32 s0, $0x0;
	s0 =	rddreg [dreg:$0x2]  }
0xcc: {  	s0 =	sadd.s32 @!p0 $0x100000, s0  }
0xcd: {  	[sflag:s0] =	ssyncadd.tile.s32 @!p0 $0x1;
	_ =	shalt  }
.Lfunc_end2:
_tile_overlayer_lowered:
.L_overlay_start_2:
0xce: {  	(tag) =	ssettag $0x2  }
0xcf: {  	s0 =	rddreg [dreg:$0x0];
	s2 =	stileid.u32  }
0xd0: {  	s1 =	rddreg [dreg:$0x1];
	p0 =	sne.s32 s2, $0x0  }
0xd1: {  	s3 =	rddreg [dreg:$0x2];
	[bflag:$0x3] =	sbarrier.arrive $0xFFFF;
	s2 =	simm.s32 @!p0 $0x1C02  }
0xd2: {  	[timem:s3], [sflag:s2] =	dma.local @!p0 [hbm:s0], s1  }
0xd3: {  	s0 =	simm.s32 @!p0 $0x2  }
0xd4: {  	_ =	swait.ge @!p0 [sflag:s0], s1  }
0xd5: {  	s1 =	ssub.s32 @!p0 $0x0, s1;
	[sflag:s0] =	ssyncset.done @!p0 $0x0  }
0xd6: {  	[sflag:s0] =	ssyncadd.s32 @!p0 s1  }
0xd7: {  	[bflag:$0x3] =	sbarrier.arrive $0xFFFF  }
0xd8: {  	_ =	shalt  }

// kernel: kernel.23.cloned.1.call-start
scs
__scs_entry_jumppad:
0x0: {  	(pc) =	sbr.rel $0x88, $3  }
0x1: {  	(tag) =	ssettag $0x0;
	lr =	simm.s32 $0x1  }
0x2: {  	[smem:$0x3F90] =	sst lr;
	_ =	strace $0xD0000000  }
0x3: {  	_ = 	snop  }
0x4: {  	_ = 	snop  }
0x5: {  	_ = 	snop  }
0x6: {  	_ = 	snop  }
0x7: {  	_ = 	snop  }
__scs_overlays_trampoline_lowered:
0x8: {  	[smem:$0x3F9F] =	sst s0  }
0x9: {  	[smem:$0x3FA0] =	sst s1  }
0xa: {  	[smem:$0x3FA1] =	sst s2  }
0xb: {  	[smem:$0x3FA2] =	sst s3  }
0xc: {  	[smem:$0x3FA3] =	sst s4  }
0xd: {  	[smem:$0x3FA4] =	sst s5  }
0xe: {  	[smem:$0x3FA5] =	sst s6  }
0xf: {  	[smem:$0x3FA6] =	sst s7  }
0x10: {  	[smem:$0x3FA7] =	sst s8  }
0x11: {  	[smem:$0x3FA8] =	sst s9;
	s0 =	simm.s32 @!p0 $0x0  }
0x12: {  	s1 =	sld [smem:$0x3F8E];
	s0 =	simm.s32 @p0 $0x1  }
0x13: {  	[smem:$0x3FA9] =	sst s0;
	s0 =	simm.s32 @!p1 $0x0  }
0x14: {  	s2 =	sld [smem:$0x3F8D];
	s0 =	simm.s32 @p1 $0x1  }
0x15: {  	[smem:$0x3FAA] =	sst s0;
	s0 =	simm.s32 @!p2 $0x0  }
0x16: {  	s3 =	sld [smem:$0x3FDB];
	s0 =	simm.s32 @p2 $0x1  }
0x17: {  	s4 =	simm.s32 $0x1BF5;
	[smem:$0x3FAC] =	sst s0  }
0x18: {  	s0 =	sld [smem:$0x3F8F];
	_ =	swait.ge [sflag:s4], $0x0  }
0x19: {  	s7 =	sld [smem:$0x3F90]  }
0x1a: {  	s8 =	sadd.s32 $0xFFFFE003, lr  }
0x1b: {  	s9 =	sadd.s32 $0xFFFFFEF7, lr;
	s5 =	simm.s32 $0xFFFFFFFF;
	p2 =	slt.u32 s8, $0xFFFFF086  }
0x1c: {  	p1 =	slt.u32 s9, $0xF7A;
	s5 =	simm.s32 @!p2 $0x0  }
0x1d: {  	s5 =	simm.s32 @p1 $0x1;
	p0 =	seq.s32 s7, s2  }
0x1e: {  	s7 =	smul.u32 @!p0 $0xF7A, s2;
	p2 =	seq.s32 @!p0 s5, $0x0  }
0x1f: {  	s9 =	smul.u32 $0xF7A, s1;
	s8 =	simm.s32 @!p0 $0x1BF5;
	p2 =	por !p2, p0  }
0x20: {  	[sflag:s8] =	ssyncset.s32 @!p0 $0xFFFFF086;
	s6 =	sadd.s32 @!p0 s3, s7;
	s7 =	simm.s32 @!p0 $0x108  }
0x21: {  	s3 =	sadd.s32 s3, s9;
	s6 =	sadd.s32 @!p0 $0x88, s6;
	s7 =	simm.s32 @p2 $0x1082  }
0x22: {  	[simem:s7], [sflag:s8] =	dma.local @!p0 [hbm:s6], $0xF7A  }
0x23: {  	s9 =	sor.u32 $0xD0000000, s2;
	s6 =	simm.s32 $0x108;
	_ =	swait.ge @!p0 [sflag:s8], $0x0  }
0x24: {  	s3 =	sadd.s32 $0x88, s3;
	s6 =	simm.s32 @!p1 $0x1082;
	[sflag:s4] =	ssyncset.s32 $0xFFFFF086  }
0x25: {  	[simem:s6], [sflag:s4] =	dma.local [hbm:s3], $0xF7A  }
0x26: {  	[smem:$0x3F90] =	sst s1;
	(tag) =	ssettag s2;
	_ =	strace s9  }
0x27: {  	s1 =	sld [smem:$0x3FA0]  }
0x28: {  	s2 =	sld [smem:$0x3FA1]  }
0x29: {  	s4 =	sld [smem:$0x3FA3]  }
0x2a: {  	p0 =	seq.s32 s5, $0x0;
	s5 =	sld [smem:$0x3FA4]  }
0x2b: {  	s6 =	sld [smem:$0x3FA5]  }
0x2c: {  	s7 =	sld [smem:$0x3FA6]  }
0x2d: {  	s3 =	simm.s32 $0x108;
	s8 =	sld [smem:$0x3FA7]  }
0x2e: {  	s3 =	simm.s32 @!p0 $0x1082;
	s9 =	sld [smem:$0x3FA8]  }
0x2f: {  	lr =	sadd.s32 s0, s3;
	s0 =	sld [smem:$0x3F9F]  }
0x30: {  	s3 =	sld [smem:$0x3FA2]  }
0x31: {  	[smem:$0x3FAB] =	sst s10  }
0x32: {  	s10 =	sld [smem:$0x3FA9];
	_ =	sdelay $0x3  }
0x33: {  	p0 =	seq.s32 s10, $0x1;
	s10 =	sld [smem:$0x3FAB];
	_ =	sdelay $0x3  }
0x34: {  	[smem:$0x3FAB] =	sst s10  }
0x35: {  	s10 =	sld [smem:$0x3FAA];
	_ =	sdelay $0x3  }
0x36: {  	p1 =	seq.s32 s10, $0x1;
	s10 =	sld [smem:$0x3FAB];
	_ =	sdelay $0x3  }
0x37: {  	[smem:$0x3FAB] =	sst s10  }
0x38: {  	s10 =	sld [smem:$0x3FAC]  }
0x39: {  	_ = 	snop;
	(pc) =	sbr.ind lr, $3  }
0x3a: {  	_ = 	snop  }
0x3b: {  	_ = 	snop  }
0x3c: {  	p2 =	seq.s32 s10, $0x1;
	s10 =	sld [smem:$0x3FAB]  }
0x3d: {  	_ =	shalt  }
0x3e: {  	_ =	shalt  }
0x3f: {  	_ =	shalt  }
0x40: {  	_ =	shalt  }
0x41: {  	_ =	shalt  }
0x42: {  	_ =	shalt  }
0x43: {  	_ =	shalt  }
0x44: {  	_ =	shalt  }
0x45: {  	_ =	shalt  }
0x46: {  	_ =	shalt  }
0x47: {  	_ =	shalt  }
0x48: {  	_ =	shalt  }
0x49: {  	_ =	shalt  }
0x4a: {  	_ =	shalt  }
0x4b: {  	_ =	shalt  }
0x4c: {  	_ =	shalt  }
0x4d: {  	_ =	shalt  }
0x4e: {  	_ =	shalt  }
0x4f: {  	_ =	shalt  }
0x50: {  	_ =	shalt  }
0x51: {  	_ =	shalt  }
0x52: {  	_ =	shalt  }
0x53: {  	_ =	shalt  }
0x54: {  	_ =	shalt  }
0x55: {  	_ =	shalt  }
0x56: {  	_ =	shalt  }
0x57: {  	_ =	shalt  }
0x58: {  	_ =	shalt  }
0x59: {  	_ =	shalt  }
0x5a: {  	_ =	shalt  }
0x5b: {  	_ =	shalt  }
0x5c: {  	_ =	shalt  }
0x5d: {  	_ =	shalt  }
0x5e: {  	_ =	shalt  }
0x5f: {  	_ =	shalt  }
0x60: {  	_ =	shalt  }
0x61: {  	_ =	shalt  }
0x62: {  	_ =	shalt  }
0x63: {  	_ =	shalt  }
0x64: {  	_ =	shalt  }
0x65: {  	_ =	shalt  }
0x66: {  	_ =	shalt  }
0x67: {  	_ =	shalt  }
0x68: {  	_ =	shalt  }
0x69: {  	_ =	shalt  }
0x6a: {  	_ =	shalt  }
0x6b: {  	_ =	shalt  }
0x6c: {  	_ =	shalt  }
0x6d: {  	_ =	shalt  }
0x6e: {  	_ =	shalt  }
0x6f: {  	_ =	shalt  }
0x70: {  	_ =	shalt  }
0x71: {  	_ =	shalt  }
0x72: {  	_ =	shalt  }
0x73: {  	_ =	shalt  }
0x74: {  	_ =	shalt  }
0x75: {  	_ =	shalt  }
0x76: {  	_ =	shalt  }
0x77: {  	_ =	shalt  }
0x78: {  	_ =	shalt  }
0x79: {  	_ =	shalt  }
0x7a: {  	_ =	shalt  }
0x7b: {  	_ =	shalt  }
0x7c: {  	_ =	shalt  }
0x7d: {  	_ =	shalt  }
0x7e: {  	_ =	shalt  }
0x7f: {  	_ =	shalt  }
0x80: {  	_ =	shalt  }
0x81: {  	_ =	shalt  }
0x82: {  	_ =	shalt  }
0x83: {  	_ =	shalt  }
0x84: {  	_ =	shalt  }
0x85: {  	_ =	shalt  }
0x86: {  	_ =	shalt  }
0x87: {  	_ =	shalt  }
.Lfunc_end0:
.L_simem_size_0:
called_computation.3_lowered:
.L_overlay_start_0:
0x88: {  	s2 =	sld [smem:$0x3FD9]  }
0x89: {  	s3 =	sld [smem:$0x3FFE];
	_ =	sdelay $0x1  }
0x8a: {  	s1 =	srdreg.scid  }
0x8b: {  	s0 =	sand.u32 $0x1, s1  }
0x8c: {  	s16 =	sshll.u32 s0, $0xA;
	s2 =	sadd.s32 s3, s2  }
0x8d: {  	s2 =	sadd.s32 s2, s16  }
0x8e: {  	[smem:$0x3FB7] =	sst s2  }
0x8f: {  	_ = 	snop  }
0x90: {  	(tm) =	ssettm $0x1  }
0x91: {  	s17 =	sld [smem:$0x3FFB];
	_ =	sdelay $0x3  }
0x92: {  	_ =	strace s17  }
0x93: {  	s2 =	sld [smem:$0x3FFC];
	_ =	sdelay $0x3  }
0x94: {  	_ =	strace s2  }
0x95: {  	s2 =	sld [smem:$0x3FFD];
	_ =	sdelay $0x3  }
0x96: {  	_ =	strace s2  }
0x97: {  	_ =	strace $0x8FFFFFFF  }
0x98: {  	s18 =	sld [smem:$0x3FDB];
	_ =	sdelay $0x1  }
0x99: {  	s19 =	simm.s32 $_scs_section_size  }
0x9a: {  	s4 =	simm.s32 $_size__tile_overlayer_lowered;
	s5 =	simm.s32 $_tile_overlayer_lowered  }
0x9b: {  	s22 =	simm.s32 $0x1BFF;
	s21 =	sshll.u32 s5, $0x1;
	s2 =	sadd.s32 s19, s18  }
0x9c: {  	s6 =	simm.s32 $0x0;
	s20 =	sshll.u32 s4, $0x1;
	s4 =	sadd.s32 s21, s2  }
0x9d: {  	[timem:s6], [sflag:s22] =	dma.local [hbm:s4], s20  }
0x9e: {  	_ =	swait.ge [sflag:s22], s20  }
0x9f: {  	s3 =	ssub.s32 $0x0, s20;
	[sflag:s22] =	ssyncset.done $0x0  }
0xa0: {  	[sflag:s22] =	ssyncadd.s32 s3;
	_ =	sdelay $0x1  }
0xa1: {  	s23 =	simm.s32 $0x1B8B  }
0xa2: {  	_ =	swait.ge [sflag:s23], $0x1  }
0xa3: {  	[sflag:s23] =	ssyncset.done $0x0  }
0xa4: {  	s25 =	simm.s32 $0x1B8E;
	s24 =	sld [smem:$0x3FFE];
	[sflag:s23] =	ssyncadd.s32 $0xFFFFFFFF  }
0xa5: {  	s26 =	simm.s32 $execute0_lowered;
	[smem:$0x3FD2] =	sst s25  }
0xa6: {  	s4 =	sshll.u32 s26, $0x1;
	_ =	strace $0x8000004F;
	[dreg:$0x1] =	wrdreg $0xFFFFFFFF  }
0xa7: {  	s28 =	simm.s32 $_size_execute0_lowered;
	s2 =	sadd.s32 s2, s4;
	[dreg:$0x0] =	wrdreg $0x0  }
0xa8: {  	s4 =	sshll.u32 s28, $0x1;
	[dreg:$0x2] =	wrdreg s2  }
0xa9: {  	[dreg:$0x3] =	wrdreg s4  }
0xaa: {  	[dreg:$0x4] =	wrdreg $0xC0  }
0xab: {  	_ =	task [dreg:s6], $0x5FFFF  }
0xac: {  	[dreg:$0x1] =	wrdreg $0xFFFFFFFF  }
0xad: {  	[dreg:$0x0] =	wrdreg $0x60  }
0xae: {  	[dreg:$0x2] =	wrdreg s24  }
0xaf: {  	[dreg:$0x3] =	wrdreg $0x9  }
0xb0: {  	_ =	task.clear_ibuf [dreg:s6], $0x4FFFF;
	_ =	strace $0x9000004F  }
0xb1: {  	s29 =	simm.s32 $0x9;
	_ =	strace $0x80000051  }
0xb2: {  	_ =	swait.ge [sflag:s29], $0x1  }
0xb3: {  	[sflag:s29] =	ssyncadd.s32 $0xFFFFFFFF  }
0xb4: {  	_ =	strace $0x90000051  }
0xb5: {  	_ =	sfence  }
0xb6: {  	s30 =	sld [smem:$0x0];
	_ =	sdelay $0x2  }
0xb7: {  	s31 =	sshll.u32 s1, $0xD;
	s1 =	sshrl.u32 s1, $0x2  }
0xb8: {  	s3 =	sand.u32 $0x4000, s31;
	s1 =	sadd.s32 s1, s30  }
0xb9: {  	s0 =	sor.u32 s3, s0;
	s1 =	sshll.u32 s1, $0x11  }
0xba: {  	s0 =	sor.u32 s1, s0  }
0xbb: {  	s0 =	sadd.s32 $0x8F2B, s0  }
0xbc: {  	[sflag:s0] =	ssyncadd.remote.s32 $0x1  }
0xbd: {  	_ =	sfence.sel $0xFFFF  }
0xbe: {  	[dreg:$0x0] =	wrdreg $0xFFFFFFFF;
	(pc) =	sbr.abs _section_cstart, $3  }
0xbf: {  	[dreg:$0x1] =	wrdreg $0xFFFFFFFF  }
0xc0: {  	_ =	task.clear_ibuf [dreg:s6], $0x2FFFF;
	_ =	strace $0x9FFFFFFF  }
0xc1: {  	(tm) =	ssettm $0x7FFFFFFF  }
tec
execute0_lowered:
.L_overlay_start_1:
0x0: {  	(tag) =	ssettag $0x1  }
0x1: {  	s1 =	srdreg.scid  }
0x2: {  	s0 =	stileid.u32;
	s4 =	rddreg [dreg:$0x0]  }
0x3: {  	s19 =	simm.s32 $0x900;
	s20 =	simm.s32 $0x1100;
	s21 =	simm.s32 $0x1900  }
0x4: {  	s23 =	simm.s32 $0x2100;
	s24 =	simm.s32 $0x2900;
	s25 =	simm.s32 $0x3100  }
0x5: {  	s26 =	simm.s32 $0x3900;
	s6 =	simm.s32 $0x100;
	s8 =	simm.s32 $0x4900  }
0x6: {  	s9 =	simm.s32 $0x5100;
	s10 =	simm.s32 $0x5900;
	s11 =	simm.s32 $0x6100  }
0x7: {  	s12 =	simm.s32 $0x6900;
	s13 =	simm.s32 $0x7100;
	s1 =	sand.u32 $0x1, s1  }
0x8: {  	s14 =	simm.s32 $0x7900;
	s2 =	sshll.u32 s0, $0x9;
	s3 =	sshll.u32 s1, $0x8  }
0x9: {  	s15 =	simm.s32 $0x8100;
	s3 =	sor.u32 s3, s2;
	s2 =	simm.s32 $0x0  }
0xa: {  	s16 =	simm.s32 $0x8900;
	s17 =	simm.s32 $0x9100;
	[smem:$0x7FF] =	sst s2  }
0xb: {  	s18 =	simm.s32 $0x9900;
	_ =	strace $0x80000050;
	[dreg:$0x4] =	wrdreg s19  }
0xc: {  	s28 =	simm.s32 $0xE100;
	s29 =	simm.s32 $0xE900;
	[dreg:$0x5] =	wrdreg s20  }
0xd: {  	s30 =	simm.s32 $0xF100;
	s1 =	ssub.s32 $0x2, s1;
	[dreg:$0x6] =	wrdreg s21  }
0xe: {  	s31 =	simm.s32 $0xF900;
	s22 =	sshrl.u32 s1, $0x1;
	[dreg:$0x7] =	wrdreg s23  }
0xf: {  	s5 =	sshrl.u32 s3, $0x3;
	s3 =	sshll.u32 s3, $0x5;
	[dreg:$0x8] =	wrdreg s24  }
0x10: {  	s1 =	ssub.s32 s1, s22;
	s22 =	simm.s32 $0xB900;
	[dreg:$0x9] =	wrdreg s25  }
0x11: {  	s5 =	sadd.s32 s5, s4;
	s3 =	sadd.s32 s3, s4;
	[dreg:$0xa] =	wrdreg s26  }
0x12: {  	s19 =	simm.s32 $0xA100;
	s20 =	simm.s32 $0xA900;
	s21 =	simm.s32 $0xB100  }
0x13: {  	s23 =	simm.s32 $0xC100;
	s24 =	simm.s32 $0xC900;
	s5 =	sadd.s32 $0x600, s5  }
0x14: {  	v2 =	vlaneseq.u32;
	s25 =	simm.s32 $0xD100;
	s3 =	sadd.s32 $0x1B8400, s3;
	[dreg:$0x2] =	wrdreg s5  }
0x15: {  	vm0 =	vmmov $0xffff;
	v1 =	vshrl.u32 v2, $0x3;
	s26 =	simm.s32 $0xD900;
	[dreg:$0x3] =	wrdreg s3;
	s3 =	sadd.s32 $0x10400, s4  }
0x16: {  	v0 =	vand.u32 $0x7, v2;
	v2 =	vor.u32 $0x8, v2;
	v1 =	vmul.u32 $0x8, v1;
	s4 =	smax.u32 s1, $0x1;
	s5 =	simm.s32 $0x2;
	s1 =	simm.s32 $0x1  }
.LBB2_1:
0x17: {  	s0 =	rddreg [dreg:$0x2]  }
0x18: {  	[tilespmem:s2], [sflag:$0x2] =	stream.linear.gather [hbm4b:s0+s2], $0x100, $0x38;
	[tilespmem:$0x10100] =	vst v63  }
0x19: {  	_ =	swait.ge [sflag:s5], $0x100  }
0x1a: {  	[sflag:s5] =	ssyncset.done $0x0  }
0x1b: {  	[sflag:s5] =	ssyncadd.s32 $0xFFFFFF00  }
0x1c: {  	v3 =	vld [tilespmem:$0x0];
	_ =	sdelay $0x4  }
0x1d: {  	v4 =	vshll.u32 v3, $0x1  }
0x1e: {  	v3 =	vand.u32 $0x7, v3;
	v4 =	vand.u32 $0xFFFFFFF0, v4  }
0x1f: {  	v3 =	vor.u32 v3, v4  }
0x20: {  	v4 =	vperm.xlane v3, v0;
	_ =	sdelay $0x1  }
0x21: {  	v3 =	vperm.xlane v3, v2;
	v4 =	vadd.s32 v1, v4;
	_ =	sdelay $0x1  }
0x22: {  	v3 =	vadd.s32 v1, v3;
	_ =	sdelay $0x2  }
0x23: {  	[tilespmem:s6], [sflag:$0x1] =	stream.indirect_vreg.gather [hbm4b:s3+s2], $0x80, v4, vm0, $0xb8;
	[tilespmem:$0x10100] =	vst v63  }
0x24: {  	s7 =	rddreg [dreg:$0x4]  }
0x25: {  	[tilespmem:s7], [sflag:$0x1] =	stream.indirect_vreg.gather [hbm4b:s3+s2], $0x80, v3, vm0, $0xb8;
	[tilespmem:$0x10100] =	vst v63  }
0x26: {  	v3 =	vld [tilespmem:$0x10];
	_ =	sdelay $0x4  }
0x27: {  	v49 =	vshll.u32 v3, $0x1  }
0x28: {  	v3 =	vand.u32 $0x7, v3;
	v4 =	vand.u32 $0xFFFFFFF0, v49  }
0x29: {  	v3 =	vor.u32 v3, v4  }
0x2a: {  	v4 =	vperm.xlane v3, v0;
	_ =	sdelay $0x1  }
0x2b: {  	v3 =	vperm.xlane v3, v2;
	v4 =	vadd.s32 v1, v4;
	_ =	sdelay $0x1  }
0x2c: {  	v3 =	vadd.s32 v1, v3;
	_ =	sdelay $0x1  }
0x2d: {  	s0 =	rddreg [dreg:$0x5]  }
0x2e: {  	[tilespmem:s0], [sflag:$0x1] =	stream.indirect_vreg.gather [hbm4b:s3+s2], $0x80, v4, vm0, $0xb8;
	[tilespmem:$0x10100] =	vst v63  }
0x2f: {  	s7 =	rddreg [dreg:$0x6]  }
0x30: {  	[tilespmem:s7], [sflag:$0x1] =	stream.indirect_vreg.gather [hbm4b:s3+s2], $0x80, v3, vm0, $0xb8;
	[tilespmem:$0x10100] =	vst v63  }
0x31: {  	v3 =	vld [tilespmem:$0x20];
	_ =	sdelay $0x4  }
0x32: {  	v50 =	vshll.u32 v3, $0x1  }
0x33: {  	v3 =	vand.u32 $0x7, v3;
	v4 =	vand.u32 $0xFFFFFFF0, v50  }
0x34: {  	v3 =	vor.u32 v3, v4  }
0x35: {  	v4 =	vperm.xlane v3, v0;
	_ =	sdelay $0x1  }
0x36: {  	v3 =	vperm.xlane v3, v2;
	v4 =	vadd.s32 v1, v4;
	_ =	sdelay $0x1  }
0x37: {  	v3 =	vadd.s32 v1, v3;
	_ =	sdelay $0x1  }
0x38: {  	s0 =	rddreg [dreg:$0x7]  }
0x39: {  	[tilespmem:s0], [sflag:$0x1] =	stream.indirect_vreg.gather [hbm4b:s3+s2], $0x80, v4, vm0, $0xb8;
	[tilespmem:$0x10100] =	vst v63  }
0x3a: {  	s7 =	rddreg [dreg:$0x8]  }
0x3b: {  	[tilespmem:s7], [sflag:$0x1] =	stream.indirect_vreg.gather [hbm4b:s3+s2], $0x80, v3, vm0, $0xb8;
	[tilespmem:$0x10100] =	vst v63  }
0x3c: {  	v3 =	vld [tilespmem:$0x30];
	_ =	sdelay $0x4  }
0x3d: {  	v51 =	vshll.u32 v3, $0x1  }
0x3e: {  	v3 =	vand.u32 $0x7, v3;
	v4 =	vand.u32 $0xFFFFFFF0, v51  }
0x3f: {  	v3 =	vor.u32 v3, v4  }
0x40: {  	v4 =	vperm.xlane v3, v0;
	_ =	sdelay $0x1  }
0x41: {  	v3 =	vperm.xlane v3, v2;
	v4 =	vadd.s32 v1, v4;
	_ =	sdelay $0x1  }
0x42: {  	v3 =	vadd.s32 v1, v3;
	_ =	sdelay $0x1  }
0x43: {  	s0 =	rddreg [dreg:$0x9]  }
0x44: {  	[tilespmem:s0], [sflag:$0x1] =	stream.indirect_vreg.gather [hbm4b:s3+s2], $0x80, v4, vm0, $0xb8;
	[tilespmem:$0x10100] =	vst v63  }
0x45: {  	s7 =	rddreg [dreg:$0xa]  }
0x46: {  	[tilespmem:s7], [sflag:$0x1] =	stream.indirect_vreg.gather [hbm4b:s3+s2], $0x80, v3, vm0, $0xb8;
	[tilespmem:$0x10100] =	vst v63  }
0x47: {  	v3 =	vld [tilespmem:$0x40];
	_ =	sdelay $0x4  }
0x48: {  	v52 =	vshll.u32 v3, $0x1  }
0x49: {  	v3 =	vand.u32 $0x7, v3;
	v4 =	vand.u32 $0xFFFFFFF0, v52  }
0x4a: {  	v3 =	vor.u32 v3, v4  }
0x4b: {  	v4 =	vperm.xlane v3, v0;
	_ =	sdelay $0x1  }
0x4c: {  	v3 =	vperm.xlane v3, v2;
	v4 =	vadd.s32 v1, v4;
	_ =	sdelay $0x1  }
0x4d: {  	v3 =	vadd.s32 v1, v3;
	_ =	sdelay $0x1  }
0x4e: {  	s7 =	simm.s32 $0x4100  }
0x4f: {  	[tilespmem:s7], [sflag:$0x1] =	stream.indirect_vreg.gather [hbm4b:s3+s2], $0x80, v4, vm0, $0xb8;
	[tilespmem:$0x10100] =	vst v63  }
0x50: {  	_ = 	snop  }
0x51: {  	[tilespmem:s8], [sflag:$0x1] =	stream.indirect_vreg.gather [hbm4b:s3+s2], $0x80, v3, vm0, $0xb8;
	[tilespmem:$0x10100] =	vst v63  }
0x52: {  	v3 =	vld [tilespmem:$0x50];
	_ =	sdelay $0x4  }
0x53: {  	v53 =	vshll.u32 v3, $0x1  }
0x54: {  	v3 =	vand.u32 $0x7, v3;
	v4 =	vand.u32 $0xFFFFFFF0, v53  }
0x55: {  	v3 =	vor.u32 v3, v4  }
0x56: {  	v4 =	vperm.xlane v3, v0;
	_ =	sdelay $0x1  }
0x57: {  	v3 =	vperm.xlane v3, v2;
	v4 =	vadd.s32 v1, v4;
	_ =	sdelay $0x1  }
0x58: {  	v3 =	vadd.s32 v1, v3;
	_ =	sdelay $0x2  }
0x59: {  	[tilespmem:s9], [sflag:$0x1] =	stream.indirect_vreg.gather [hbm4b:s3+s2], $0x80, v4, vm0, $0xb8;
	[tilespmem:$0x10100] =	vst v63  }
0x5a: {  	_ = 	snop  }
0x5b: {  	[tilespmem:s10], [sflag:$0x1] =	stream.indirect_vreg.gather [hbm4b:s3+s2], $0x80, v3, vm0, $0xb8;
	[tilespmem:$0x10100] =	vst v63  }
0x5c: {  	v3 =	vld [tilespmem:$0x60];
	_ =	sdelay $0x4  }
0x5d: {  	v54 =	vshll.u32 v3, $0x1  }
0x5e: {  	v3 =	vand.u32 $0x7, v3;
	v4 =	vand.u32 $0xFFFFFFF0, v54  }
0x5f: {  	v3 =	vor.u32 v3, v4  }
0x60: {  	v4 =	vperm.xlane v3, v0;
	_ =	sdelay $0x1  }
0x61: {  	v3 =	vperm.xlane v3, v2;
	v4 =	vadd.s32 v1, v4;
	_ =	sdelay $0x1  }
0x62: {  	v3 =	vadd.s32 v1, v3;
	_ =	sdelay $0x2  }
0x63: {  	[tilespmem:s11], [sflag:$0x1] =	stream.indirect_vreg.gather [hbm4b:s3+s2], $0x80, v4, vm0, $0xb8;
	[tilespmem:$0x10100] =	vst v63  }
0x64: {  	_ = 	snop  }
0x65: {  	[tilespmem:s12], [sflag:$0x1] =	stream.indirect_vreg.gather [hbm4b:s3+s2], $0x80, v3, vm0, $0xb8;
	[tilespmem:$0x10100] =	vst v63  }
0x66: {  	v3 =	vld [tilespmem:$0x70];
	_ =	sdelay $0x4  }
0x67: {  	v55 =	vshll.u32 v3, $0x1  }
0x68: {  	v3 =	vand.u32 $0x7, v3;
	v4 =	vand.u32 $0xFFFFFFF0, v55  }
0x69: {  	v3 =	vor.u32 v3, v4  }
0x6a: {  	v4 =	vperm.xlane v3, v0;
	_ =	sdelay $0x1  }
0x6b: {  	v3 =	vperm.xlane v3, v2;
	v4 =	vadd.s32 v1, v4;
	_ =	sdelay $0x1  }
0x6c: {  	v3 =	vadd.s32 v1, v3;
	_ =	sdelay $0x2  }
0x6d: {  	[tilespmem:s13], [sflag:$0x1] =	stream.indirect_vreg.gather [hbm4b:s3+s2], $0x80, v4, vm0, $0xb8;
	[tilespmem:$0x10100] =	vst v63  }
0x6e: {  	_ = 	snop  }
0x6f: {  	[tilespmem:s14], [sflag:$0x1] =	stream.indirect_vreg.gather [hbm4b:s3+s2], $0x80, v3, vm0, $0xb8;
	[tilespmem:$0x10100] =	vst v63  }
0x70: {  	v3 =	vld [tilespmem:$0x80];
	_ =	sdelay $0x4  }
0x71: {  	v56 =	vshll.u32 v3, $0x1  }
0x72: {  	v3 =	vand.u32 $0x7, v3;
	v4 =	vand.u32 $0xFFFFFFF0, v56  }
0x73: {  	v3 =	vor.u32 v3, v4  }
0x74: {  	v4 =	vperm.xlane v3, v0;
	_ =	sdelay $0x1  }
0x75: {  	v3 =	vperm.xlane v3, v2;
	v4 =	vadd.s32 v1, v4;
	_ =	sdelay $0x1  }
0x76: {  	v3 =	vadd.s32 v1, v3;
	_ =	sdelay $0x2  }
0x77: {  	[tilespmem:s15], [sflag:$0x1] =	stream.indirect_vreg.gather [hbm4b:s3+s2], $0x80, v4, vm0, $0xb8;
	[tilespmem:$0x10100] =	vst v63  }
0x78: {  	_ = 	snop  }
0x79: {  	[tilespmem:s16], [sflag:$0x1] =	stream.indirect_vreg.gather [hbm4b:s3+s2], $0x80, v3, vm0, $0xb8;
	[tilespmem:$0x10100] =	vst v63  }
0x7a: {  	v3 =	vld [tilespmem:$0x90];
	_ =	sdelay $0x4  }
0x7b: {  	v57 =	vshll.u32 v3, $0x1  }
0x7c: {  	v3 =	vand.u32 $0x7, v3;
	v4 =	vand.u32 $0xFFFFFFF0, v57  }
0x7d: {  	v3 =	vor.u32 v3, v4  }
0x7e: {  	v4 =	vperm.xlane v3, v0;
	_ =	sdelay $0x1  }
0x7f: {  	v3 =	vperm.xlane v3, v2;
	v4 =	vadd.s32 v1, v4;
	_ =	sdelay $0x1  }
0x80: {  	v3 =	vadd.s32 v1, v3;
	_ =	sdelay $0x2  }
0x81: {  	[tilespmem:s17], [sflag:$0x1] =	stream.indirect_vreg.gather [hbm4b:s3+s2], $0x80, v4, vm0, $0xb8;
	[tilespmem:$0x10100] =	vst v63  }
0x82: {  	_ = 	snop  }
0x83: {  	[tilespmem:s18], [sflag:$0x1] =	stream.indirect_vreg.gather [hbm4b:s3+s2], $0x80, v3, vm0, $0xb8;
	[tilespmem:$0x10100] =	vst v63  }
0x84: {  	v3 =	vld [tilespmem:$0xA0];
	_ =	sdelay $0x4  }
0x85: {  	v58 =	vshll.u32 v3, $0x1  }
0x86: {  	v3 =	vand.u32 $0x7, v3;
	v4 =	vand.u32 $0xFFFFFFF0, v58  }
0x87: {  	v3 =	vor.u32 v3, v4  }
0x88: {  	v4 =	vperm.xlane v3, v0;
	_ =	sdelay $0x1  }
0x89: {  	v3 =	vperm.xlane v3, v2;
	v4 =	vadd.s32 v1, v4;
	_ =	sdelay $0x1  }
0x8a: {  	v3 =	vadd.s32 v1, v3;
	_ =	sdelay $0x2  }
0x8b: {  	[tilespmem:s19], [sflag:$0x1] =	stream.indirect_vreg.gather [hbm4b:s3+s2], $0x80, v4, vm0, $0xb8;
	[tilespmem:$0x10100] =	vst v63  }
0x8c: {  	_ = 	snop  }
0x8d: {  	[tilespmem:s20], [sflag:$0x1] =	stream.indirect_vreg.gather [hbm4b:s3+s2], $0x80, v3, vm0, $0xb8;
	[tilespmem:$0x10100] =	vst v63  }
0x8e: {  	v3 =	vld [tilespmem:$0xB0];
	_ =	sdelay $0x4  }
0x8f: {  	v59 =	vshll.u32 v3, $0x1  }
0x90: {  	v3 =	vand.u32 $0x7, v3;
	v4 =	vand.u32 $0xFFFFFFF0, v59  }
0x91: {  	v3 =	vor.u32 v3, v4  }
0x92: {  	v4 =	vperm.xlane v3, v0;
	_ =	sdelay $0x1  }
0x93: {  	v3 =	vperm.xlane v3, v2;
	v4 =	vadd.s32 v1, v4;
	_ =	sdelay $0x1  }
0x94: {  	v3 =	vadd.s32 v1, v3;
	_ =	sdelay $0x2  }
0x95: {  	[tilespmem:s21], [sflag:$0x1] =	stream.indirect_vreg.gather [hbm4b:s3+s2], $0x80, v4, vm0, $0xb8;
	[tilespmem:$0x10100] =	vst v63  }
0x96: {  	_ = 	snop  }
0x97: {  	[tilespmem:s22], [sflag:$0x1] =	stream.indirect_vreg.gather [hbm4b:s3+s2], $0x80, v3, vm0, $0xb8;
	[tilespmem:$0x10100] =	vst v63  }
0x98: {  	v3 =	vld [tilespmem:$0xC0];
	_ =	sdelay $0x4  }
0x99: {  	v60 =	vshll.u32 v3, $0x1  }
0x9a: {  	v3 =	vand.u32 $0x7, v3;
	v4 =	vand.u32 $0xFFFFFFF0, v60  }
0x9b: {  	v3 =	vor.u32 v3, v4  }
0x9c: {  	v4 =	vperm.xlane v3, v0;
	_ =	sdelay $0x1  }
0x9d: {  	v3 =	vperm.xlane v3, v2;
	v4 =	vadd.s32 v1, v4;
	_ =	sdelay $0x1  }
0x9e: {  	v3 =	vadd.s32 v1, v3;
	_ =	sdelay $0x2  }
0x9f: {  	[tilespmem:s23], [sflag:$0x1] =	stream.indirect_vreg.gather [hbm4b:s3+s2], $0x80, v4, vm0, $0xb8;
	[tilespmem:$0x10100] =	vst v63  }
0xa0: {  	_ = 	snop  }
0xa1: {  	[tilespmem:s24], [sflag:$0x1] =	stream.indirect_vreg.gather [hbm4b:s3+s2], $0x80, v3, vm0, $0xb8;
	[tilespmem:$0x10100] =	vst v63  }
0xa2: {  	v3 =	vld [tilespmem:$0xD0];
	_ =	sdelay $0x4  }
0xa3: {  	v61 =	vshll.u32 v3, $0x1  }
0xa4: {  	v3 =	vand.u32 $0x7, v3;
	v4 =	vand.u32 $0xFFFFFFF0, v61  }
0xa5: {  	v3 =	vor.u32 v3, v4  }
0xa6: {  	v4 =	vperm.xlane v3, v0;
	_ =	sdelay $0x1  }
0xa7: {  	v3 =	vperm.xlane v3, v2;
	v4 =	vadd.s32 v1, v4;
	_ =	sdelay $0x1  }
0xa8: {  	v3 =	vadd.s32 v1, v3;
	_ =	sdelay $0x2  }
0xa9: {  	[tilespmem:s25], [sflag:$0x1] =	stream.indirect_vreg.gather [hbm4b:s3+s2], $0x80, v4, vm0, $0xb8;
	[tilespmem:$0x10100] =	vst v63  }
0xaa: {  	_ = 	snop  }
0xab: {  	[tilespmem:s26], [sflag:$0x1] =	stream.indirect_vreg.gather [hbm4b:s3+s2], $0x80, v3, vm0, $0xb8;
	[tilespmem:$0x10100] =	vst v63  }
0xac: {  	v3 =	vld [tilespmem:$0xE0];
	_ =	sdelay $0x4  }
0xad: {  	v62 =	vshll.u32 v3, $0x1  }
0xae: {  	v3 =	vand.u32 $0x7, v3;
	v4 =	vand.u32 $0xFFFFFFF0, v62  }
0xaf: {  	v3 =	vor.u32 v3, v4  }
0xb0: {  	v4 =	vperm.xlane v3, v0;
	_ =	sdelay $0x1  }
0xb1: {  	v3 =	vperm.xlane v3, v2;
	v4 =	vadd.s32 v1, v4;
	_ =	sdelay $0x1  }
0xb2: {  	v3 =	vadd.s32 v1, v3;
	_ =	sdelay $0x2  }
0xb3: {  	[tilespmem:s28], [sflag:$0x1] =	stream.indirect_vreg.gather [hbm4b:s3+s2], $0x80, v4, vm0, $0xb8;
	[tilespmem:$0x10100] =	vst v63  }
0xb4: {  	_ = 	snop  }
0xb5: {  	[tilespmem:s29], [sflag:$0x1] =	stream.indirect_vreg.gather [hbm4b:s3+s2], $0x80, v3, vm0, $0xb8;
	[tilespmem:$0x10100] =	vst v63  }
0xb6: {  	v3 =	vld [tilespmem:$0xF0];
	_ =	sdelay $0x4  }
0xb7: {  	v63 =	vshll.u32 v3, $0x1  }
0xb8: {  	v3 =	vand.u32 $0x7, v3;
	v4 =	vand.u32 $0xFFFFFFF0, v63  }
0xb9: {  	v3 =	vor.u32 v3, v4  }
0xba: {  	v4 =	vperm.xlane v3, v0;
	_ =	sdelay $0x1  }
0xbb: {  	v3 =	vperm.xlane v3, v2;
	v4 =	vadd.s32 v1, v4;
	_ =	sdelay $0x1  }
0xbc: {  	v3 =	vadd.s32 v1, v3;
	_ =	sdelay $0x2  }
0xbd: {  	[tilespmem:s30], [sflag:$0x1] =	stream.indirect_vreg.gather [hbm4b:s3+s2], $0x80, v4, vm0, $0xb8;
	[tilespmem:$0x10100] =	vst v63  }
0xbe: {  	_ = 	snop  }
0xbf: {  	[tilespmem:s31], [sflag:$0x1] =	stream.indirect_vreg.gather [hbm4b:s3+s2], $0x80, v3, vm0, $0xb8;
	[tilespmem:$0x10100] =	vst v63  }
0xc0: {  	_ =	swait.ge [sflag:s1], $0x10000  }
0xc1: {  	p0 =	sne.s32 s4, $0x1;
	[sflag:s1] =	ssyncset.done $0x0  }
.Ltmp0:
0xc2: {  	s7 =	rddreg [dreg:$0x3];
	[sflag:s1] =	ssyncadd.s32 $0xFFFF0000;
	(pc) =	sbr.rel @p0 .LBB2_1-.Ltmp0, $4  }
0xc3: {  	[hbm4b:s7+s2] =	stream.linear.scatter [tilespmem:s6], [sflag:$0x2], $0x10000, $0x38;
	[tilespmem:$0x10100] =	vst v63  }
0xc4: {  	_ =	swait.ge [sflag:s5], $0x10000  }
0xc5: {  	[sflag:s5] =	ssyncset.done $0x0  }
0xc6: {  	s4 =	sadd.s32 $0xFFFFFFFF, s4;
	[sflag:s5] =	ssyncadd.s32 $0xFFFF0000  }
0xc7: {  	_ =	sfence.sel $0x180000  }
0xc8: {  	[bflag:$0x0] =	sbarrier.arrive $0xFFFF  }
0xc9: {  	_ =	strace $0x90000050  }
0xca: {  	s0 =	stileid.u32;
	[bflag:$0x2] =	sbarrier.arrive $0xFFFF  }
0xcb: {  	p0 =	sne.s32 s0, $0x0;
	s0 =	rddreg [dreg:$0x1]  }
0xcc: {  	s0 =	sadd.s32 @!p0 $0x100000, s0  }
0xcd: {  	[sflag:s0] =	ssyncadd.tile.s32 @!p0 $0x1;
	_ =	shalt  }
.Lfunc_end2:
_tile_overlayer_lowered:
.L_overlay_start_2:
0xce: {  	(tag) =	ssettag $0x2  }
0xcf: {  	s0 =	rddreg [dreg:$0x0];
	s2 =	stileid.u32  }
0xd0: {  	s1 =	rddreg [dreg:$0x1];
	p0 =	sne.s32 s2, $0x0  }
0xd1: {  	s3 =	rddreg [dreg:$0x2];
	[bflag:$0x3] =	sbarrier.arrive $0xFFFF;
	s2 =	simm.s32 @!p0 $0x1C02  }
0xd2: {  	[timem:s3], [sflag:s2] =	dma.local @!p0 [hbm:s0], s1  }
0xd3: {  	s0 =	simm.s32 @!p0 $0x2  }
0xd4: {  	_ =	swait.ge @!p0 [sflag:s0], s1  }
0xd5: {  	s1 =	ssub.s32 @!p0 $0x0, s1;
	[sflag:s0] =	ssyncset.done @!p0 $0x0  }
0xd6: {  	[sflag:s0] =	ssyncadd.s32 @!p0 s1  }
0xd7: {  	[bflag:$0x3] =	sbarrier.arrive $0xFFFF  }
0xd8: {  	_ =	shalt  }

</sc_bundles>
